<compile_context>
chip_gen: v7x
topology: tpu7x:2x2x1
jax: 0.10.2.dev20260603
libtpu: 0.0.44.dev20260713+nightly
codegen_flags: <defaults>
</compile_context>

<pallas_src>
import functools

import jax
import jax.numpy as jnp
from jax import lax
from jax.experimental import pallas as pl
from jax.experimental.pallas import tpu as pltpu
from jax.experimental.pallas import tpu_sc as plsc

N = 10000
E = 320000
D = 128

NC = 2
NS = 16
NW = NC * NS
CH = 128
NCHUNK = 80
NPH = 2
PH = NCHUNK // NPH
E_PAD = NW * NCHUNK * CH
N_PAD = 10240
ROWS_PT = N_PAD // NS

def _sc_body(y_hbm, src_hbm, dst_hbm, ones_hbm,
             part_hbm, degp_hbm,
             acc_sh, deg_sh, src_all, dst_all, rows0, rows1, ones_v,
             sem0, sem1, with_deg):
    c = lax.axis_index("c")
    s = lax.axis_index("s")
    wid = s * NC + c
    r0 = s * ROWS_PT

    rows = [rows0, rows1]
    sems = [sem0, sem1]
    c0 = pl.multiple_of(wid * NCHUNK, 8)

    def _zr(i, _):
        for jj in range(D // 16):
            rows0[i, pl.ds(jj * 16, 16)] = jnp.zeros((16,), jnp.float32)
        return 0

    lax.fori_loop(0, CH, _zr, 0)
    for k in range(ROWS_PT // CH):
        pltpu.sync_copy(rows0, acc_sh.at[pl.ds(r0 + k * CH, CH)])
    if with_deg:
        for k in range(ROWS_PT // CH):
            pltpu.sync_copy(rows0.at[0], deg_sh.at[pl.ds(r0 + k * CH, CH)])
        pltpu.sync_copy(ones_hbm, ones_v)
    plsc.subcore_barrier()

    for p in range(NPH):
        pltpu.sync_copy(src_hbm.at[pl.ds(c0 + p * PH, PH)], src_all)
        pltpu.sync_copy(dst_hbm.at[pl.ds(c0 + p * PH, PH)], dst_all)
        pltpu.async_copy(y_hbm.at[src_all.at[0]], rows[0], sems[0])
        pltpu.async_copy(y_hbm.at[src_all.at[1]], rows[1], sems[1])


        def _pair_body(j, _):
            for b in range(2):
                i = j * 2 + b
                pltpu.make_async_copy(
                    y_hbm.at[src_all.at[i]], rows[b], sems[b]).wait()
                pltpu.sync_copy(rows[b], acc_sh.at[dst_all.at[i]], add=True)
                if with_deg:
                    pltpu.sync_copy(ones_v, deg_sh.at[dst_all.at[i]], add=True)

                @pl.when(i + 2 < PH)
                def _():
                    pltpu.async_copy(y_hbm.at[src_all.at[i + 2]], rows[b], sems[b])
            return 0

        lax.fori_loop(0, PH // 2, _pair_body, 0)
    plsc.subcore_barrier()

    o0 = c * N_PAD + r0
    pltpu.sync_copy(acc_sh.at[pl.ds(r0, ROWS_PT)], part_hbm.at[pl.ds(o0, ROWS_PT)])
    if with_deg:
        pltpu.sync_copy(deg_sh.at[pl.ds(r0, ROWS_PT)], degp_hbm.at[pl.ds(o0, ROWS_PT)])


@functools.cache
def _sc_kernels():
    mesh = plsc.VectorSubcoreMesh(core_axis_name="c", subcore_axis_name="s")

    @functools.partial(
        pl.kernel,
        out_type=[jax.ShapeDtypeStruct((2 * N_PAD, D), jnp.float32),
                  jax.ShapeDtypeStruct((2 * N_PAD,), jnp.float32)],
        mesh=mesh,
        scratch_types=[
            pltpu.VMEM_SHARED((N_PAD, D), jnp.float32),
            pltpu.VMEM_SHARED((N_PAD,), jnp.float32),
            pltpu.VMEM((PH, CH), jnp.int32),
            pltpu.VMEM((PH, CH), jnp.int32),
            pltpu.VMEM((CH, D), jnp.float32),
            pltpu.VMEM((CH, D), jnp.float32),
            pltpu.VMEM((CH,), jnp.float32),
            pltpu.SemaphoreType.DMA,
            pltpu.SemaphoreType.DMA,
        ],
    )
    def sc_agg_deg(y_hbm, src_hbm, dst_hbm, ones_hbm,
                   part_hbm, degp_hbm,
                   acc_sh, deg_sh, src_all, dst_all, rows0, rows1, ones_v,
                   sem0, sem1):
        _sc_body(y_hbm, src_hbm, dst_hbm, ones_hbm,
                 part_hbm, degp_hbm,
                 acc_sh, deg_sh, src_all, dst_all, rows0, rows1, ones_v,
                 sem0, sem1, True)

    @functools.partial(
        pl.kernel,
        out_type=[jax.ShapeDtypeStruct((2 * N_PAD, D), jnp.float32)],
        mesh=mesh,
        scratch_types=[
            pltpu.VMEM_SHARED((N_PAD, D), jnp.float32),
            pltpu.VMEM((PH, CH), jnp.int32),
            pltpu.VMEM((PH, CH), jnp.int32),
            pltpu.VMEM((CH, D), jnp.float32),
            pltpu.VMEM((CH, D), jnp.float32),
            pltpu.SemaphoreType.DMA,
            pltpu.SemaphoreType.DMA,
        ],
    )
    def sc_agg(y_hbm, src_hbm, dst_hbm,
               part_hbm,
               acc_sh, src_all, dst_all, rows0, rows1, sem0, sem1):
        _sc_body(y_hbm, src_hbm, dst_hbm, None, part_hbm, None,
                 acc_sh, None, src_all, dst_all, rows0, rows1, None,
                 sem0, sem1, False)

    return sc_agg_deg, sc_agg


BN = 1000
BNP = 1024


def _comb_body(p_ref, dg0_ref, dg1_ref, x_ref, b_ref, wm1_ref, wr1_ref,
               wr2_ref, h_ref, r2_ref, invb_ref):
    invd_row = 1.0 / jnp.maximum(dg0_ref[...] + dg1_ref[...], 1.0)
    invd = jnp.swapaxes(invd_row, 0, 1)
    agg = (p_ref[0] + p_ref[1]) * invd
    h = jnp.maximum(
        jnp.dot(agg, wm1_ref[...], preferred_element_type=jnp.float32)
        + jnp.dot(x_ref[...], wr1_ref[...], preferred_element_type=jnp.float32)
        + b_ref[...], 0.0)
    h_ref[...] = h
    r2_ref[...] = jnp.dot(h, wr2_ref[...], preferred_element_type=jnp.float32)
    invb_ref[...] = jnp.broadcast_to(invd, (BNP, D))


_comb = pl.pallas_call(
    _comb_body,
    grid=(N_PAD // BNP,),
    in_specs=[pl.BlockSpec((2, BNP, D), lambda i: (0, i, 0)),
              pl.BlockSpec((1, BNP), lambda i: (0, i)),
              pl.BlockSpec((1, BNP), lambda i: (0, i)),
              pl.BlockSpec((BNP, D), lambda i: (i, 0)),
              pl.BlockSpec((1, D), lambda i: (0, 0)),
              pl.BlockSpec((D, D), lambda i: (0, 0)),
              pl.BlockSpec((D, D), lambda i: (0, 0)),
              pl.BlockSpec((D, D), lambda i: (0, 0))],
    out_specs=[pl.BlockSpec((BNP, D), lambda i: (i, 0)),
               pl.BlockSpec((BNP, D), lambda i: (i, 0)),
               pl.BlockSpec((BNP, D), lambda i: (i, 0))],
    out_shape=[jax.ShapeDtypeStruct((N_PAD, D), jnp.float32),
               jax.ShapeDtypeStruct((N_PAD, D), jnp.float32),
               jax.ShapeDtypeStruct((N_PAD, D), jnp.float32)],
)


def _fin_body(p_ref, invb_ref, r_ref, b_ref, wm2_ref, o_ref):
    agg = (p_ref[0] + p_ref[1]) * invb_ref[...]
    o_ref[...] = jnp.maximum(
        jnp.dot(agg, wm2_ref[...], preferred_element_type=jnp.float32)
        + r_ref[...] + b_ref[...], 0.0)


_fin = pl.pallas_call(
    _fin_body,
    grid=(N // BN,),
    in_specs=[pl.BlockSpec((2, BN, D), lambda i: (0, i, 0)),
              pl.BlockSpec((BN, D), lambda i: (i, 0)),
              pl.BlockSpec((BN, D), lambda i: (i, 0)),
              pl.BlockSpec((1, D), lambda i: (0, 0)),
              pl.BlockSpec((D, D), lambda i: (0, 0))],
    out_specs=pl.BlockSpec((BN, D), lambda i: (i, 0)),
    out_shape=jax.ShapeDtypeStruct((N, D), jnp.float32),
)


def _esplit_body(e_ref, s_ref, d_ref):
    s_ref[...] = e_ref[0].reshape(E // CH, CH)
    d_ref[...] = e_ref[1].reshape(E // CH, CH)


_esplit = pl.pallas_call(
    _esplit_body,
    out_shape=[jax.ShapeDtypeStruct((E // CH, CH), jnp.int32),
               jax.ShapeDtypeStruct((E // CH, CH), jnp.int32)],
)


def kernel(x, edge_index, W_msg1, W_root1, b1, W_msg2, W_root2, b2):
    pad_rows = (E_PAD - E) // CH
    src2, dst2 = _esplit(edge_index)
    pad_iota = jax.lax.broadcasted_iota(jnp.int32, (pad_rows, CH), 1)
    src = jnp.concatenate([src2, pad_iota], axis=0)
    dst = jnp.concatenate([dst2, N + pad_iota], axis=0)
    ones = jnp.ones((CH,), jnp.float32)
    x_pad = jnp.pad(x, ((0, N_PAD - N), (0, 0)))

    sc_agg_deg, sc_agg = _sc_kernels()
    part1, degp1 = sc_agg_deg(x, src, dst, ones)
    p1 = part1.reshape(2, N_PAD, D)
    dg0 = degp1[:N_PAD].reshape(1, N_PAD)
    dg1 = degp1[N_PAD:].reshape(1, N_PAD)
    h, r2, invb = _comb(p1, dg0, dg1, x_pad, b1.reshape(1, D),
                        W_msg1, W_root1, W_root2)
    (part2,) = sc_agg(h, src, dst)
    out = _fin(part2.reshape(2, N_PAD, D), invb, r2, b2.reshape(1, D), W_msg2)
    return out

# --- scband reference (transcript-rebuilt; emitter-appended) ---
"""Pipeline reference for scband-gnnencoder-12257836663105 (READ-ONLY COPY).

The authoritative reference and input builder live on the scoring server;
editing this copy changes nothing except your own understanding.
"""

import jax, jax.numpy as jnp
import numpy as np

N_NODES = 10000
N_EDGES = 320000
D = 128

def setup_inputs(seed: int = 0) -> dict:
    key = jax.random.key(seed)
    ks = jax.random.split(key, 8)
    x = jax.random.normal(ks[0], (N_NODES, D), dtype=jnp.float32)
    edge_index = jax.random.randint(ks[1], (2, N_EDGES), 0, N_NODES)
    s = 1.0 / np.sqrt(D)
    W_msg1 = jax.random.uniform(ks[2], (D, D), dtype=jnp.float32, minval=-s, maxval=s)
    W_root1 = jax.random.uniform(ks[3], (D, D), dtype=jnp.float32, minval=-s, maxval=s)
    b1 = jnp.zeros((D,), dtype=jnp.float32)
    W_msg2 = jax.random.uniform(ks[4], (D, D), dtype=jnp.float32, minval=-s, maxval=s)
    W_root2 = jax.random.uniform(ks[5], (D, D), dtype=jnp.float32, minval=-s, maxval=s)
    b2 = jnp.zeros((D,), dtype=jnp.float32)
    return {"x": x, "edge_index": edge_index, "W_msg1": W_msg1, "W_root1": W_root1, "b1": b1, "W_msg2": W_msg2, "W_root2": W_root2, "b2": b2}

def _sage_conv(x, edge_index, W_msg, W_root, b):
    # SAGEConv with mean aggregation: out = mean_{j in N(i)} x_j @ W_msg + x_i @ W_root + b
    src = edge_index[0]
    dst = edge_index[1]
    msgs = jnp.take(x, src, axis=0)                                  # gather [E, D]
    agg = jax.ops.segment_sum(msgs, dst, num_segments=N_NODES)       # scatter-add [N, D]
    deg = jax.ops.segment_sum(jnp.ones((edge_index.shape[1],), dtype=x.dtype), dst, num_segments=N_NODES)
    agg = agg / jnp.clip(deg, 1.0, None)[:, None]                    # mean aggregation
    return agg @ W_msg + x @ W_root + b

def reference(x, edge_index, W_msg1, W_root1, b1, W_msg2, W_root2, b2):
    # Layer 1: conv -> dropout (identity in eval) -> ReLU
    h = _sage_conv(x, edge_index, W_msg1, W_root1, b1)
    h = jax.nn.relu(h)
    # Layer 2
    h = _sage_conv(h, edge_index, W_msg2, W_root2, b2)
    h = jax.nn.relu(h)
    return h

if __name__ == "__main__":
    import jax
    _d = setup_inputs()
    print(jax.jit(kernel)(*tuple(_d.values())))

</pallas_src>

<mosaic_0001>
#map = affine_map<(d0, d1) -> (0, 0)>
#map1 = affine_map<(d0, d1) -> (0)>
module attributes {stable_mosaic.version = 14 : i64} {
  func.func @sc_agg_deg(%arg0: i32, %arg1: i32, %arg2: memref<10000x128xf32, #tpu.memory_space<hbm>>, %arg3: memref<2560x128xi32, #tpu.memory_space<hbm>>, %arg4: memref<2560x128xi32, #tpu.memory_space<hbm>>, %arg5: memref<128xf32, #tpu.memory_space<hbm>>, %arg6: memref<20480x128xf32, #tpu.memory_space<hbm>>, %arg7: memref<20480xf32, #tpu.memory_space<hbm>>, %arg8: memref<10240x128xf32, #tpu.memory_space<vmem_shared>>, %arg9: memref<10240xf32, #tpu.memory_space<vmem_shared>>, %arg10: memref<40x128xi32, #tpu.memory_space<vmem>>, %arg11: memref<40x128xi32, #tpu.memory_space<vmem>>, %arg12: memref<128x128xf32, #tpu.memory_space<vmem>>, %arg13: memref<128x128xf32, #tpu.memory_space<vmem>>, %arg14: memref<128xf32, #tpu.memory_space<vmem>>, %arg15: memref<!tpu.dma_semaphore, #tpu.memory_space<semaphore_mem>>, %arg16: memref<!tpu.dma_semaphore, #tpu.memory_space<semaphore_mem>>) attributes {dimension_semantics = [#tpu.dimension_semantics<core_parallel>, #tpu.dimension_semantics<subcore_parallel>], iteration_bounds = array<i64: 2, 16>, scalar_prefetch = 0 : i64, scratch_operands = 9 : i64, tpu.core_type = #tpu.core_type<sc_vector_subcore>, window_params = [{transform_indices = #map}, {transform_indices = #map}, {transform_indices = #map}, {transform_indices = #map1}, {transform_indices = #map}, {transform_indices = #map1}]} {
    %mul3A = arith.constant 2 : i32
    %mul3A_0 = arith.muli %arg1, %mul3A : i32
    %add3A = arith.addi %mul3A_0, %arg0 : i32
    %mul3A_1 = arith.constant 640 : i32
    %mul3A_2 = arith.muli %arg1, %mul3A_1 : i32
    %mul3A_3 = arith.constant 80 : i32
    %mul3A_4 = arith.muli %add3A, %mul3A_3 : i32
    %multiple_of3A = tpu.assume_multiple %mul3A_4, 8 : i32
    %scan3A = arith.constant 0 : i32
    %scan3A_5 = arith.constant 0 : i32
    %scan3A_6 = arith.constant 128 : i32
    %scan3A_7 = arith.addi %scan3A_5, %scan3A_6 : i32
    %scan3A_8 = arith.constant 1 : i32
    %scan3A_9 = scf.for %scan3A_88 = %scan3A_5 to %scan3A_7 step %scan3A_8 iter_args(%scan3A_89 = %scan3A) -> (i32)  : i32 {
      %broadcast_in_dim3A = arith.constant 0.000000e+00 : f32
      %broadcast_in_dim3A_90 = vector.broadcast %broadcast_in_dim3A : f32 to vector<16xf32>
      %swap3A = arith.index_cast %scan3A_88 : i32 to index
      %swap3A_91 = arith.constant 0 : index
      %swap3A_92 = tpu.vector_load %arg12[%swap3A, %swap3A_91] {strides = array<i32>} : memref<128x128xf32, #tpu.memory_space<vmem>>, vector<1x16xf32>,
      %swap3A_93 = vector.shape_cast %swap3A_92 : vector<1x16xf32> to vector<16xf32>
      %swap3A_94 = vector.shape_cast %broadcast_in_dim3A_90 : vector<16xf32> to vector<1x16xf32>
      tpu.vector_store %arg12[%swap3A, %swap3A_91], %swap3A_94 {strides = array<i32>} : memref<128x128xf32, #tpu.memory_space<vmem>>, vector<1x16xf32>,
      %broadcast_in_dim3A_95 = arith.constant 0.000000e+00 : f32
      %broadcast_in_dim3A_96 = vector.broadcast %broadcast_in_dim3A_95 : f32 to vector<16xf32>
      %swap3A_97 = arith.index_cast %scan3A_88 : i32 to index
      %swap3A_98 = arith.constant 16 : index
      %swap3A_99 = tpu.vector_load %arg12[%swap3A_97, %swap3A_98] {strides = array<i32>} : memref<128x128xf32, #tpu.memory_space<vmem>>, vector<1x16xf32>,
      %swap3A_100 = vector.shape_cast %swap3A_99 : vector<1x16xf32> to vector<16xf32>
      %swap3A_101 = vector.shape_cast %broadcast_in_dim3A_96 : vector<16xf32> to vector<1x16xf32>
      tpu.vector_store %arg12[%swap3A_97, %swap3A_98], %swap3A_101 {strides = array<i32>} : memref<128x128xf32, #tpu.memory_space<vmem>>, vector<1x16xf32>,
      %broadcast_in_dim3A_102 = arith.constant 0.000000e+00 : f32
      %broadcast_in_dim3A_103 = vector.broadcast %broadcast_in_dim3A_102 : f32 to vector<16xf32>
      %swap3A_104 = arith.index_cast %scan3A_88 : i32 to index
      %swap3A_105 = arith.constant 32 : index
      %swap3A_106 = tpu.vector_load %arg12[%swap3A_104, %swap3A_105] {strides = array<i32>} : memref<128x128xf32, #tpu.memory_space<vmem>>, vector<1x16xf32>,
      %swap3A_107 = vector.shape_cast %swap3A_106 : vector<1x16xf32> to vector<16xf32>
      %swap3A_108 = vector.shape_cast %broadcast_in_dim3A_103 : vector<16xf32> to vector<1x16xf32>
      tpu.vector_store %arg12[%swap3A_104, %swap3A_105], %swap3A_108 {strides = array<i32>} : memref<128x128xf32, #tpu.memory_space<vmem>>, vector<1x16xf32>,
      %broadcast_in_dim3A_109 = arith.constant 0.000000e+00 : f32
      %broadcast_in_dim3A_110 = vector.broadcast %broadcast_in_dim3A_109 : f32 to vector<16xf32>
      %swap3A_111 = arith.index_cast %scan3A_88 : i32 to index
      %swap3A_112 = arith.constant 48 : index
      %swap3A_113 = tpu.vector_load %arg12[%swap3A_111, %swap3A_112] {strides = array<i32>} : memref<128x128xf32, #tpu.memory_space<vmem>>, vector<1x16xf32>,
      %swap3A_114 = vector.shape_cast %swap3A_113 : vector<1x16xf32> to vector<16xf32>
      %swap3A_115 = vector.shape_cast %broadcast_in_dim3A_110 : vector<16xf32> to vector<1x16xf32>
      tpu.vector_store %arg12[%swap3A_111, %swap3A_112], %swap3A_115 {strides = array<i32>} : memref<128x128xf32, #tpu.memory_space<vmem>>, vector<1x16xf32>,
      %broadcast_in_dim3A_116 = arith.constant 0.000000e+00 : f32
      %broadcast_in_dim3A_117 = vector.broadcast %broadcast_in_dim3A_116 : f32 to vector<16xf32>
      %swap3A_118 = arith.index_cast %scan3A_88 : i32 to index
      %swap3A_119 = arith.constant 64 : index
      %swap3A_120 = tpu.vector_load %arg12[%swap3A_118, %swap3A_119] {strides = array<i32>} : memref<128x128xf32, #tpu.memory_space<vmem>>, vector<1x16xf32>,
      %swap3A_121 = vector.shape_cast %swap3A_120 : vector<1x16xf32> to vector<16xf32>
      %swap3A_122 = vector.shape_cast %broadcast_in_dim3A_117 : vector<16xf32> to vector<1x16xf32>
      tpu.vector_store %arg12[%swap3A_118, %swap3A_119], %swap3A_122 {strides = array<i32>} : memref<128x128xf32, #tpu.memory_space<vmem>>, vector<1x16xf32>,
      %broadcast_in_dim3A_123 = arith.constant 0.000000e+00 : f32
      %broadcast_in_dim3A_124 = vector.broadcast %broadcast_in_dim3A_123 : f32 to vector<16xf32>
      %swap3A_125 = arith.index_cast %scan3A_88 : i32 to index
      %swap3A_126 = arith.constant 80 : index
      %swap3A_127 = tpu.vector_load %arg12[%swap3A_125, %swap3A_126] {strides = array<i32>} : memref<128x128xf32, #tpu.memory_space<vmem>>, vector<1x16xf32>,
      %swap3A_128 = vector.shape_cast %swap3A_127 : vector<1x16xf32> to vector<16xf32>
      %swap3A_129 = vector.shape_cast %broadcast_in_dim3A_124 : vector<16xf32> to vector<1x16xf32>
      tpu.vector_store %arg12[%swap3A_125, %swap3A_126], %swap3A_129 {strides = array<i32>} : memref<128x128xf32, #tpu.memory_space<vmem>>, vector<1x16xf32>,
      %broadcast_in_dim3A_130 = arith.constant 0.000000e+00 : f32
      %broadcast_in_dim3A_131 = vector.broadcast %broadcast_in_dim3A_130 : f32 to vector<16xf32>
      %swap3A_132 = arith.index_cast %scan3A_88 : i32 to index
      %swap3A_133 = arith.constant 96 : index
      %swap3A_134 = tpu.vector_load %arg12[%swap3A_132, %swap3A_133] {strides = array<i32>} : memref<128x128xf32, #tpu.memory_space<vmem>>, vector<1x16xf32>,
      %swap3A_135 = vector.shape_cast %swap3A_134 : vector<1x16xf32> to vector<16xf32>
      %swap3A_136 = vector.shape_cast %broadcast_in_dim3A_131 : vector<16xf32> to vector<1x16xf32>
      tpu.vector_store %arg12[%swap3A_132, %swap3A_133], %swap3A_136 {strides = array<i32>} : memref<128x128xf32, #tpu.memory_space<vmem>>, vector<1x16xf32>,
      %broadcast_in_dim3A_137 = arith.constant 0.000000e+00 : f32
      %broadcast_in_dim3A_138 = vector.broadcast %broadcast_in_dim3A_137 : f32 to vector<16xf32>
      %swap3A_139 = arith.index_cast %scan3A_88 : i32 to index
      %swap3A_140 = arith.constant 112 : index
      %swap3A_141 = tpu.vector_load %arg12[%swap3A_139, %swap3A_140] {strides = array<i32>} : memref<128x128xf32, #tpu.memory_space<vmem>>, vector<1x16xf32>,
      %swap3A_142 = vector.shape_cast %swap3A_141 : vector<1x16xf32> to vector<16xf32>
      %swap3A_143 = vector.shape_cast %broadcast_in_dim3A_138 : vector<16xf32> to vector<1x16xf32>
      tpu.vector_store %arg12[%swap3A_139, %swap3A_140], %swap3A_143 {strides = array<i32>} : memref<128x128xf32, #tpu.memory_space<vmem>>, vector<1x16xf32>,
      %scan3A_144 = arith.constant 0 : i32
      scf.yield %scan3A_144 : i32
    }
    %scan3A_10 = arith.constant 128 : i32
    %add3A_11 = arith.constant 0 : i32
    %add3A_12 = arith.addi %mul3A_2, %add3A_11 : i32
    "tpu.region"() ({
      %run_scoped3A_88 = tpu.sem_alloc : memref<!tpu.dma_semaphore, #tpu.memory_space<semaphore_mem>>
      %dma_start3A_89 = arith.constant 0 : i32
      %dma_start3A_90 = tpu.memref_slice %arg8[%add3A_12, %dma_start3A_89] : memref<10240x128xf32, #tpu.memory_space<vmem_shared>> -> memref<128x128xf32, #tpu.memory_space<vmem_shared>>
      %dma_start3A_91 = arith.constant 0 : i32
      %dma_start3A_92 = tpu.memref_slice %arg8[%add3A_12, %dma_start3A_91] : memref<10240x128xf32, #tpu.memory_space<vmem_shared>> -> memref<128x128xf32, #tpu.memory_space<vmem_shared>>
      tpu.enqueue_dma source(%arg12 : memref<128x128xf32, #tpu.memory_space<vmem>>) target(%dma_start3A_92 : memref<128x128xf32, #tpu.memory_space<vmem_shared>>) target_semaphore(%run_scoped3A_88 : memref<!tpu.dma_semaphore, #tpu.memory_space<semaphore_mem>>)
      %dma_wait3A = arith.constant 0 : i32
      %dma_wait3A_93 = tpu.memref_slice %arg8[%add3A_12, %dma_wait3A] : memref<10240x128xf32, #tpu.memory_space<vmem_shared>> -> memref<128x128xf32, #tpu.memory_space<vmem_shared>>
      %dma_wait3A_94 = arith.constant 0 : i32
      %dma_wait3A_95 = tpu.memref_slice %arg8[%add3A_12, %dma_wait3A_94] : memref<10240x128xf32, #tpu.memory_space<vmem_shared>> -> memref<128x128xf32, #tpu.memory_space<vmem_shared>>
      tpu.wait_dma2 semaphore(%run_scoped3A_88 : memref<!tpu.dma_semaphore, #tpu.memory_space<semaphore_mem>>) src(%arg12 : memref<128x128xf32, #tpu.memory_space<vmem>>) dst(%dma_wait3A_95 : memref<128x128xf32, #tpu.memory_space<vmem_shared>>)
      tpu.yield
    }) : () -> ()
    %add3A_13 = arith.constant 128 : i32
    %add3A_14 = arith.addi %mul3A_2, %add3A_13 : i32
    "tpu.region"() ({
      %run_scoped3A_88 = tpu.sem_alloc : memref<!tpu.dma_semaphore, #tpu.memory_space<semaphore_mem>>
      %dma_start3A_89 = arith.constant 0 : i32
      %dma_start3A_90 = tpu.memref_slice %arg8[%add3A_14, %dma_start3A_89] : memref<10240x128xf32, #tpu.memory_space<vmem_shared>> -> memref<128x128xf32, #tpu.memory_space<vmem_shared>>
      %dma_start3A_91 = arith.constant 0 : i32
      %dma_start3A_92 = tpu.memref_slice %arg8[%add3A_14, %dma_start3A_91] : memref<10240x128xf32, #tpu.memory_space<vmem_shared>> -> memref<128x128xf32, #tpu.memory_space<vmem_shared>>
      tpu.enqueue_dma source(%arg12 : memref<128x128xf32, #tpu.memory_space<vmem>>) target(%dma_start3A_92 : memref<128x128xf32, #tpu.memory_space<vmem_shared>>) target_semaphore(%run_scoped3A_88 : memref<!tpu.dma_semaphore, #tpu.memory_space<semaphore_mem>>)
      %dma_wait3A = arith.constant 0 : i32
      %dma_wait3A_93 = tpu.memref_slice %arg8[%add3A_14, %dma_wait3A] : memref<10240x128xf32, #tpu.memory_space<vmem_shared>> -> memref<128x128xf32, #tpu.memory_space<vmem_shared>>
      %dma_wait3A_94 = arith.constant 0 : i32
      %dma_wait3A_95 = tpu.memref_slice %arg8[%add3A_14, %dma_wait3A_94] : memref<10240x128xf32, #tpu.memory_space<vmem_shared>> -> memref<128x128xf32, #tpu.memory_space<vmem_shared>>
      tpu.wait_dma2 semaphore(%run_scoped3A_88 : memref<!tpu.dma_semaphore, #tpu.memory_space<semaphore_mem>>) src(%arg12 : memref<128x128xf32, #tpu.memory_space<vmem>>) dst(%dma_wait3A_95 : memref<128x128xf32, #tpu.memory_space<vmem_shared>>)
      tpu.yield
    }) : () -> ()
    %add3A_15 = arith.constant 256 : i32
    %add3A_16 = arith.addi %mul3A_2, %add3A_15 : i32
    "tpu.region"() ({
      %run_scoped3A_88 = tpu.sem_alloc : memref<!tpu.dma_semaphore, #tpu.memory_space<semaphore_mem>>
      %dma_start3A_89 = arith.constant 0 : i32
      %dma_start3A_90 = tpu.memref_slice %arg8[%add3A_16, %dma_start3A_89] : memref<10240x128xf32, #tpu.memory_space<vmem_shared>> -> memref<128x128xf32, #tpu.memory_space<vmem_shared>>
      %dma_start3A_91 = arith.constant 0 : i32
      %dma_start3A_92 = tpu.memref_slice %arg8[%add3A_16, %dma_start3A_91] : memref<10240x128xf32, #tpu.memory_space<vmem_shared>> -> memref<128x128xf32, #tpu.memory_space<vmem_shared>>
      tpu.enqueue_dma source(%arg12 : memref<128x128xf32, #tpu.memory_space<vmem>>) target(%dma_start3A_92 : memref<128x128xf32, #tpu.memory_space<vmem_shared>>) target_semaphore(%run_scoped3A_88 : memref<!tpu.dma_semaphore, #tpu.memory_space<semaphore_mem>>)
      %dma_wait3A = arith.constant 0 : i32
      %dma_wait3A_93 = tpu.memref_slice %arg8[%add3A_16, %dma_wait3A] : memref<10240x128xf32, #tpu.memory_space<vmem_shared>> -> memref<128x128xf32, #tpu.memory_space<vmem_shared>>
      %dma_wait3A_94 = arith.constant 0 : i32
      %dma_wait3A_95 = tpu.memref_slice %arg8[%add3A_16, %dma_wait3A_94] : memref<10240x128xf32, #tpu.memory_space<vmem_shared>> -> memref<128x128xf32, #tpu.memory_space<vmem_shared>>
      tpu.wait_dma2 semaphore(%run_scoped3A_88 : memref<!tpu.dma_semaphore, #tpu.memory_space<semaphore_mem>>) src(%arg12 : memref<128x128xf32, #tpu.memory_space<vmem>>) dst(%dma_wait3A_95 : memref<128x128xf32, #tpu.memory_space<vmem_shared>>)
      tpu.yield
    }) : () -> ()
    %add3A_17 = arith.constant 384 : i32
    %add3A_18 = arith.addi %mul3A_2, %add3A_17 : i32
    "tpu.region"() ({
      %run_scoped3A_88 = tpu.sem_alloc : memref<!tpu.dma_semaphore, #tpu.memory_space<semaphore_mem>>
      %dma_start3A_89 = arith.constant 0 : i32
      %dma_start3A_90 = tpu.memref_slice %arg8[%add3A_18, %dma_start3A_89] : memref<10240x128xf32, #tpu.memory_space<vmem_shared>> -> memref<128x128xf32, #tpu.memory_space<vmem_shared>>
      %dma_start3A_91 = arith.constant 0 : i32
      %dma_start3A_92 = tpu.memref_slice %arg8[%add3A_18, %dma_start3A_91] : memref<10240x128xf32, #tpu.memory_space<vmem_shared>> -> memref<128x128xf32, #tpu.memory_space<vmem_shared>>
      tpu.enqueue_dma source(%arg12 : memref<128x128xf32, #tpu.memory_space<vmem>>) target(%dma_start3A_92 : memref<128x128xf32, #tpu.memory_space<vmem_shared>>) target_semaphore(%run_scoped3A_88 : memref<!tpu.dma_semaphore, #tpu.memory_space<semaphore_mem>>)
      %dma_wait3A = arith.constant 0 : i32
      %dma_wait3A_93 = tpu.memref_slice %arg8[%add3A_18, %dma_wait3A] : memref<10240x128xf32, #tpu.memory_space<vmem_shared>> -> memref<128x128xf32, #tpu.memory_space<vmem_shared>>
      %dma_wait3A_94 = arith.constant 0 : i32
      %dma_wait3A_95 = tpu.memref_slice %arg8[%add3A_18, %dma_wait3A_94] : memref<10240x128xf32, #tpu.memory_space<vmem_shared>> -> memref<128x128xf32, #tpu.memory_space<vmem_shared>>
      tpu.wait_dma2 semaphore(%run_scoped3A_88 : memref<!tpu.dma_semaphore, #tpu.memory_space<semaphore_mem>>) src(%arg12 : memref<128x128xf32, #tpu.memory_space<vmem>>) dst(%dma_wait3A_95 : memref<128x128xf32, #tpu.memory_space<vmem_shared>>)
      tpu.yield
    }) : () -> ()
    %add3A_19 = arith.constant 512 : i32
    %add3A_20 = arith.addi %mul3A_2, %add3A_19 : i32
    "tpu.region"() ({
      %run_scoped3A_88 = tpu.sem_alloc : memref<!tpu.dma_semaphore, #tpu.memory_space<semaphore_mem>>
      %dma_start3A_89 = arith.constant 0 : i32
      %dma_start3A_90 = tpu.memref_slice %arg8[%add3A_20, %dma_start3A_89] : memref<10240x128xf32, #tpu.memory_space<vmem_shared>> -> memref<128x128xf32, #tpu.memory_space<vmem_shared>>
      %dma_start3A_91 = arith.constant 0 : i32
      %dma_start3A_92 = tpu.memref_slice %arg8[%add3A_20, %dma_start3A_91] : memref<10240x128xf32, #tpu.memory_space<vmem_shared>> -> memref<128x128xf32, #tpu.memory_space<vmem_shared>>
      tpu.enqueue_dma source(%arg12 : memref<128x128xf32, #tpu.memory_space<vmem>>) target(%dma_start3A_92 : memref<128x128xf32, #tpu.memory_space<vmem_shared>>) target_semaphore(%run_scoped3A_88 : memref<!tpu.dma_semaphore, #tpu.memory_space<semaphore_mem>>)
      %dma_wait3A = arith.constant 0 : i32
      %dma_wait3A_93 = tpu.memref_slice %arg8[%add3A_20, %dma_wait3A] : memref<10240x128xf32, #tpu.memory_space<vmem_shared>> -> memref<128x128xf32, #tpu.memory_space<vmem_shared>>
      %dma_wait3A_94 = arith.constant 0 : i32
      %dma_wait3A_95 = tpu.memref_slice %arg8[%add3A_20, %dma_wait3A_94] : memref<10240x128xf32, #tpu.memory_space<vmem_shared>> -> memref<128x128xf32, #tpu.memory_space<vmem_shared>>
      tpu.wait_dma2 semaphore(%run_scoped3A_88 : memref<!tpu.dma_semaphore, #tpu.memory_space<semaphore_mem>>) src(%arg12 : memref<128x128xf32, #tpu.memory_space<vmem>>) dst(%dma_wait3A_95 : memref<128x128xf32, #tpu.memory_space<vmem_shared>>)
      tpu.yield
    }) : () -> ()
    %add3A_21 = arith.constant 0 : i32
    %add3A_22 = arith.addi %mul3A_2, %add3A_21 : i32
    %run_scoped3A = arith.constant 0 : i32
    "tpu.region"() ({
      %run_scoped3A_88 = tpu.sem_alloc : memref<!tpu.dma_semaphore, #tpu.memory_space<semaphore_mem>>
      %dma_start3A_89 = arith.constant 0 : i32
      %dma_start3A_90 = tpu.memref_slice %arg12[%run_scoped3A, %dma_start3A_89] : memref<128x128xf32, #tpu.memory_space<vmem>> -> memref<1x128xf32, #tpu.memory_space<vmem>>
      %dma_start3A_91 = tpu.memref_squeeze %dma_start3A_90 : memref<1x128xf32, #tpu.memory_space<vmem>> -> memref<128xf32, #tpu.memory_space<vmem>>
      %dma_start3A_92 = tpu.memref_slice %arg9[%add3A_22] : memref<10240xf32, #tpu.memory_space<vmem_shared>> -> memref<128xf32, #tpu.memory_space<vmem_shared>>
      %dma_start3A_93 = tpu.memref_slice %arg9[%add3A_22] : memref<10240xf32, #tpu.memory_space<vmem_shared>> -> memref<128xf32, #tpu.memory_space<vmem_shared>>
      %dma_start3A_94 = arith.constant 0 : i32
      %dma_start3A_95 = tpu.memref_slice %arg12[%run_scoped3A, %dma_start3A_94] : memref<128x128xf32, #tpu.memory_space<vmem>> -> memref<1x128xf32, #tpu.memory_space<vmem>>
      %dma_start3A_96 = tpu.memref_squeeze %dma_start3A_95 : memref<1x128xf32, #tpu.memory_space<vmem>> -> memref<128xf32, #tpu.memory_space<vmem>>
      tpu.enqueue_dma source(%dma_start3A_96 : memref<128xf32, #tpu.memory_space<vmem>>) target(%dma_start3A_93 : memref<128xf32, #tpu.memory_space<vmem_shared>>) target_semaphore(%run_scoped3A_88 : memref<!tpu.dma_semaphore, #tpu.memory_space<semaphore_mem>>)
      %dma_wait3A = arith.constant 0 : i32
      %dma_wait3A_97 = tpu.memref_slice %arg12[%run_scoped3A, %dma_wait3A] : memref<128x128xf32, #tpu.memory_space<vmem>> -> memref<1x128xf32, #tpu.memory_space<vmem>>
      %dma_wait3A_98 = tpu.memref_squeeze %dma_wait3A_97 : memref<1x128xf32, #tpu.memory_space<vmem>> -> memref<128xf32, #tpu.memory_space<vmem>>
      %dma_wait3A_99 = tpu.memref_slice %arg9[%add3A_22] : memref<10240xf32, #tpu.memory_space<vmem_shared>> -> memref<128xf32, #tpu.memory_space<vmem_shared>>
      %dma_wait3A_100 = tpu.memref_slice %arg9[%add3A_22] : memref<10240xf32, #tpu.memory_space<vmem_shared>> -> memref<128xf32, #tpu.memory_space<vmem_shared>>
      %dma_wait3A_101 = arith.constant 0 : i32
      %dma_wait3A_102 = tpu.memref_slice %arg12[%run_scoped3A, %dma_wait3A_101] : memref<128x128xf32, #tpu.memory_space<vmem>> -> memref<1x128xf32, #tpu.memory_space<vmem>>
      %dma_wait3A_103 = tpu.memref_squeeze %dma_wait3A_102 : memref<1x128xf32, #tpu.memory_space<vmem>> -> memref<128xf32, #tpu.memory_space<vmem>>
      tpu.wait_dma2 semaphore(%run_scoped3A_88 : memref<!tpu.dma_semaphore, #tpu.memory_space<semaphore_mem>>) src(%dma_wait3A_103 : memref<128xf32, #tpu.memory_space<vmem>>) dst(%dma_wait3A_100 : memref<128xf32, #tpu.memory_space<vmem_shared>>)
      tpu.yield
    }) : () -> ()
    %add3A_23 = arith.constant 128 : i32
    %add3A_24 = arith.addi %mul3A_2, %add3A_23 : i32
    %run_scoped3A_25 = arith.constant 0 : i32
    "tpu.region"() ({
      %run_scoped3A_88 = tpu.sem_alloc : memref<!tpu.dma_semaphore, #tpu.memory_space<semaphore_mem>>
      %dma_start3A_89 = arith.constant 0 : i32
      %dma_start3A_90 = tpu.memref_slice %arg12[%run_scoped3A_25, %dma_start3A_89] : memref<128x128xf32, #tpu.memory_space<vmem>> -> memref<1x128xf32, #tpu.memory_space<vmem>>
      %dma_start3A_91 = tpu.memref_squeeze %dma_start3A_90 : memref<1x128xf32, #tpu.memory_space<vmem>> -> memref<128xf32, #tpu.memory_space<vmem>>
      %dma_start3A_92 = tpu.memref_slice %arg9[%add3A_24] : memref<10240xf32, #tpu.memory_space<vmem_shared>> -> memref<128xf32, #tpu.memory_space<vmem_shared>>
      %dma_start3A_93 = tpu.memref_slice %arg9[%add3A_24] : memref<10240xf32, #tpu.memory_space<vmem_shared>> -> memref<128xf32, #tpu.memory_space<vmem_shared>>
      %dma_start3A_94 = arith.constant 0 : i32
      %dma_start3A_95 = tpu.memref_slice %arg12[%run_scoped3A_25, %dma_start3A_94] : memref<128x128xf32, #tpu.memory_space<vmem>> -> memref<1x128xf32, #tpu.memory_space<vmem>>
      %dma_start3A_96 = tpu.memref_squeeze %dma_start3A_95 : memref<1x128xf32, #tpu.memory_space<vmem>> -> memref<128xf32, #tpu.memory_space<vmem>>
      tpu.enqueue_dma source(%dma_start3A_96 : memref<128xf32, #tpu.memory_space<vmem>>) target(%dma_start3A_93 : memref<128xf32, #tpu.memory_space<vmem_shared>>) target_semaphore(%run_scoped3A_88 : memref<!tpu.dma_semaphore, #tpu.memory_space<semaphore_mem>>)
      %dma_wait3A = arith.constant 0 : i32
      %dma_wait3A_97 = tpu.memref_slice %arg12[%run_scoped3A_25, %dma_wait3A] : memref<128x128xf32, #tpu.memory_space<vmem>> -> memref<1x128xf32, #tpu.memory_space<vmem>>
      %dma_wait3A_98 = tpu.memref_squeeze %dma_wait3A_97 : memref<1x128xf32, #tpu.memory_space<vmem>> -> memref<128xf32, #tpu.memory_space<vmem>>
      %dma_wait3A_99 = tpu.memref_slice %arg9[%add3A_24] : memref<10240xf32, #tpu.memory_space<vmem_shared>> -> memref<128xf32, #tpu.memory_space<vmem_shared>>
      %dma_wait3A_100 = tpu.memref_slice %arg9[%add3A_24] : memref<10240xf32, #tpu.memory_space<vmem_shared>> -> memref<128xf32, #tpu.memory_space<vmem_shared>>
      %dma_wait3A_101 = arith.constant 0 : i32
      %dma_wait3A_102 = tpu.memref_slice %arg12[%run_scoped3A_25, %dma_wait3A_101] : memref<128x128xf32, #tpu.memory_space<vmem>> -> memref<1x128xf32, #tpu.memory_space<vmem>>
      %dma_wait3A_103 = tpu.memref_squeeze %dma_wait3A_102 : memref<1x128xf32, #tpu.memory_space<vmem>> -> memref<128xf32, #tpu.memory_space<vmem>>
      tpu.wait_dma2 semaphore(%run_scoped3A_88 : memref<!tpu.dma_semaphore, #tpu.memory_space<semaphore_mem>>) src(%dma_wait3A_103 : memref<128xf32, #tpu.memory_space<vmem>>) dst(%dma_wait3A_100 : memref<128xf32, #tpu.memory_space<vmem_shared>>)
      tpu.yield
    }) : () -> ()
    %add3A_26 = arith.constant 256 : i32
    %add3A_27 = arith.addi %mul3A_2, %add3A_26 : i32
    %run_scoped3A_28 = arith.constant 0 : i32
    "tpu.region"() ({
      %run_scoped3A_88 = tpu.sem_alloc : memref<!tpu.dma_semaphore, #tpu.memory_space<semaphore_mem>>
      %dma_start3A_89 = arith.constant 0 : i32
      %dma_start3A_90 = tpu.memref_slice %arg12[%run_scoped3A_28, %dma_start3A_89] : memref<128x128xf32, #tpu.memory_space<vmem>> -> memref<1x128xf32, #tpu.memory_space<vmem>>
      %dma_start3A_91 = tpu.memref_squeeze %dma_start3A_90 : memref<1x128xf32, #tpu.memory_space<vmem>> -> memref<128xf32, #tpu.memory_space<vmem>>
      %dma_start3A_92 = tpu.memref_slice %arg9[%add3A_27] : memref<10240xf32, #tpu.memory_space<vmem_shared>> -> memref<128xf32, #tpu.memory_space<vmem_shared>>
      %dma_start3A_93 = tpu.memref_slice %arg9[%add3A_27] : memref<10240xf32, #tpu.memory_space<vmem_shared>> -> memref<128xf32, #tpu.memory_space<vmem_shared>>
      %dma_start3A_94 = arith.constant 0 : i32
      %dma_start3A_95 = tpu.memref_slice %arg12[%run_scoped3A_28, %dma_start3A_94] : memref<128x128xf32, #tpu.memory_space<vmem>> -> memref<1x128xf32, #tpu.memory_space<vmem>>
      %dma_start3A_96 = tpu.memref_squeeze %dma_start3A_95 : memref<1x128xf32, #tpu.memory_space<vmem>> -> memref<128xf32, #tpu.memory_space<vmem>>
      tpu.enqueue_dma source(%dma_start3A_96 : memref<128xf32, #tpu.memory_space<vmem>>) target(%dma_start3A_93 : memref<128xf32, #tpu.memory_space<vmem_shared>>) target_semaphore(%run_scoped3A_88 : memref<!tpu.dma_semaphore, #tpu.memory_space<semaphore_mem>>)
      %dma_wait3A = arith.constant 0 : i32
      %dma_wait3A_97 = tpu.memref_slice %arg12[%run_scoped3A_28, %dma_wait3A] : memref<128x128xf32, #tpu.memory_space<vmem>> -> memref<1x128xf32, #tpu.memory_space<vmem>>
      %dma_wait3A_98 = tpu.memref_squeeze %dma_wait3A_97 : memref<1x128xf32, #tpu.memory_space<vmem>> -> memref<128xf32, #tpu.memory_space<vmem>>
      %dma_wait3A_99 = tpu.memref_slice %arg9[%add3A_27] : memref<10240xf32, #tpu.memory_space<vmem_shared>> -> memref<128xf32, #tpu.memory_space<vmem_shared>>
      %dma_wait3A_100 = tpu.memref_slice %arg9[%add3A_27] : memref<10240xf32, #tpu.memory_space<vmem_shared>> -> memref<128xf32, #tpu.memory_space<vmem_shared>>
      %dma_wait3A_101 = arith.constant 0 : i32
      %dma_wait3A_102 = tpu.memref_slice %arg12[%run_scoped3A_28, %dma_wait3A_101] : memref<128x128xf32, #tpu.memory_space<vmem>> -> memref<1x128xf32, #tpu.memory_space<vmem>>
      %dma_wait3A_103 = tpu.memref_squeeze %dma_wait3A_102 : memref<1x128xf32, #tpu.memory_space<vmem>> -> memref<128xf32, #tpu.memory_space<vmem>>
      tpu.wait_dma2 semaphore(%run_scoped3A_88 : memref<!tpu.dma_semaphore, #tpu.memory_space<semaphore_mem>>) src(%dma_wait3A_103 : memref<128xf32, #tpu.memory_space<vmem>>) dst(%dma_wait3A_100 : memref<128xf32, #tpu.memory_space<vmem_shared>>)
      tpu.yield
    }) : () -> ()
    %add3A_29 = arith.constant 384 : i32
    %add3A_30 = arith.addi %mul3A_2, %add3A_29 : i32
    %run_scoped3A_31 = arith.constant 0 : i32
    "tpu.region"() ({
      %run_scoped3A_88 = tpu.sem_alloc : memref<!tpu.dma_semaphore, #tpu.memory_space<semaphore_mem>>
      %dma_start3A_89 = arith.constant 0 : i32
      %dma_start3A_90 = tpu.memref_slice %arg12[%run_scoped3A_31, %dma_start3A_89] : memref<128x128xf32, #tpu.memory_space<vmem>> -> memref<1x128xf32, #tpu.memory_space<vmem>>
      %dma_start3A_91 = tpu.memref_squeeze %dma_start3A_90 : memref<1x128xf32, #tpu.memory_space<vmem>> -> memref<128xf32, #tpu.memory_space<vmem>>
      %dma_start3A_92 = tpu.memref_slice %arg9[%add3A_30] : memref<10240xf32, #tpu.memory_space<vmem_shared>> -> memref<128xf32, #tpu.memory_space<vmem_shared>>
      %dma_start3A_93 = tpu.memref_slice %arg9[%add3A_30] : memref<10240xf32, #tpu.memory_space<vmem_shared>> -> memref<128xf32, #tpu.memory_space<vmem_shared>>
      %dma_start3A_94 = arith.constant 0 : i32
      %dma_start3A_95 = tpu.memref_slice %arg12[%run_scoped3A_31, %dma_start3A_94] : memref<128x128xf32, #tpu.memory_space<vmem>> -> memref<1x128xf32, #tpu.memory_space<vmem>>
      %dma_start3A_96 = tpu.memref_squeeze %dma_start3A_95 : memref<1x128xf32, #tpu.memory_space<vmem>> -> memref<128xf32, #tpu.memory_space<vmem>>
      tpu.enqueue_dma source(%dma_start3A_96 : memref<128xf32, #tpu.memory_space<vmem>>) target(%dma_start3A_93 : memref<128xf32, #tpu.memory_space<vmem_shared>>) target_semaphore(%run_scoped3A_88 : memref<!tpu.dma_semaphore, #tpu.memory_space<semaphore_mem>>)
      %dma_wait3A = arith.constant 0 : i32
      %dma_wait3A_97 = tpu.memref_slice %arg12[%run_scoped3A_31, %dma_wait3A] : memref<128x128xf32, #tpu.memory_space<vmem>> -> memref<1x128xf32, #tpu.memory_space<vmem>>
      %dma_wait3A_98 = tpu.memref_squeeze %dma_wait3A_97 : memref<1x128xf32, #tpu.memory_space<vmem>> -> memref<128xf32, #tpu.memory_space<vmem>>
      %dma_wait3A_99 = tpu.memref_slice %arg9[%add3A_30] : memref<10240xf32, #tpu.memory_space<vmem_shared>> -> memref<128xf32, #tpu.memory_space<vmem_shared>>
      %dma_wait3A_100 = tpu.memref_slice %arg9[%add3A_30] : memref<10240xf32, #tpu.memory_space<vmem_shared>> -> memref<128xf32, #tpu.memory_space<vmem_shared>>
      %dma_wait3A_101 = arith.constant 0 : i32
      %dma_wait3A_102 = tpu.memref_slice %arg12[%run_scoped3A_31, %dma_wait3A_101] : memref<128x128xf32, #tpu.memory_space<vmem>> -> memref<1x128xf32, #tpu.memory_space<vmem>>
      %dma_wait3A_103 = tpu.memref_squeeze %dma_wait3A_102 : memref<1x128xf32, #tpu.memory_space<vmem>> -> memref<128xf32, #tpu.memory_space<vmem>>
      tpu.wait_dma2 semaphore(%run_scoped3A_88 : memref<!tpu.dma_semaphore, #tpu.memory_space<semaphore_mem>>) src(%dma_wait3A_103 : memref<128xf32, #tpu.memory_space<vmem>>) dst(%dma_wait3A_100 : memref<128xf32, #tpu.memory_space<vmem_shared>>)
      tpu.yield
    }) : () -> ()
    %add3A_32 = arith.constant 512 : i32
    %add3A_33 = arith.addi %mul3A_2, %add3A_32 : i32
    %run_scoped3A_34 = arith.constant 0 : i32
    "tpu.region"() ({
      %run_scoped3A_88 = tpu.sem_alloc : memref<!tpu.dma_semaphore, #tpu.memory_space<semaphore_mem>>
      %dma_start3A_89 = arith.constant 0 : i32
      %dma_start3A_90 = tpu.memref_slice %arg12[%run_scoped3A_34, %dma_start3A_89] : memref<128x128xf32, #tpu.memory_space<vmem>> -> memref<1x128xf32, #tpu.memory_space<vmem>>
      %dma_start3A_91 = tpu.memref_squeeze %dma_start3A_90 : memref<1x128xf32, #tpu.memory_space<vmem>> -> memref<128xf32, #tpu.memory_space<vmem>>
      %dma_start3A_92 = tpu.memref_slice %arg9[%add3A_33] : memref<10240xf32, #tpu.memory_space<vmem_shared>> -> memref<128xf32, #tpu.memory_space<vmem_shared>>
      %dma_start3A_93 = tpu.memref_slice %arg9[%add3A_33] : memref<10240xf32, #tpu.memory_space<vmem_shared>> -> memref<128xf32, #tpu.memory_space<vmem_shared>>
      %dma_start3A_94 = arith.constant 0 : i32
      %dma_start3A_95 = tpu.memref_slice %arg12[%run_scoped3A_34, %dma_start3A_94] : memref<128x128xf32, #tpu.memory_space<vmem>> -> memref<1x128xf32, #tpu.memory_space<vmem>>
      %dma_start3A_96 = tpu.memref_squeeze %dma_start3A_95 : memref<1x128xf32, #tpu.memory_space<vmem>> -> memref<128xf32, #tpu.memory_space<vmem>>
      tpu.enqueue_dma source(%dma_start3A_96 : memref<128xf32, #tpu.memory_space<vmem>>) target(%dma_start3A_93 : memref<128xf32, #tpu.memory_space<vmem_shared>>) target_semaphore(%run_scoped3A_88 : memref<!tpu.dma_semaphore, #tpu.memory_space<semaphore_mem>>)
      %dma_wait3A = arith.constant 0 : i32
      %dma_wait3A_97 = tpu.memref_slice %arg12[%run_scoped3A_34, %dma_wait3A] : memref<128x128xf32, #tpu.memory_space<vmem>> -> memref<1x128xf32, #tpu.memory_space<vmem>>
      %dma_wait3A_98 = tpu.memref_squeeze %dma_wait3A_97 : memref<1x128xf32, #tpu.memory_space<vmem>> -> memref<128xf32, #tpu.memory_space<vmem>>
      %dma_wait3A_99 = tpu.memref_slice %arg9[%add3A_33] : memref<10240xf32, #tpu.memory_space<vmem_shared>> -> memref<128xf32, #tpu.memory_space<vmem_shared>>
      %dma_wait3A_100 = tpu.memref_slice %arg9[%add3A_33] : memref<10240xf32, #tpu.memory_space<vmem_shared>> -> memref<128xf32, #tpu.memory_space<vmem_shared>>
      %dma_wait3A_101 = arith.constant 0 : i32
      %dma_wait3A_102 = tpu.memref_slice %arg12[%run_scoped3A_34, %dma_wait3A_101] : memref<128x128xf32, #tpu.memory_space<vmem>> -> memref<1x128xf32, #tpu.memory_space<vmem>>
      %dma_wait3A_103 = tpu.memref_squeeze %dma_wait3A_102 : memref<1x128xf32, #tpu.memory_space<vmem>> -> memref<128xf32, #tpu.memory_space<vmem>>
      tpu.wait_dma2 semaphore(%run_scoped3A_88 : memref<!tpu.dma_semaphore, #tpu.memory_space<semaphore_mem>>) src(%dma_wait3A_103 : memref<128xf32, #tpu.memory_space<vmem>>) dst(%dma_wait3A_100 : memref<128xf32, #tpu.memory_space<vmem_shared>>)
      tpu.yield
    }) : () -> ()
    "tpu.region"() ({
      %run_scoped3A_88 = tpu.sem_alloc : memref<!tpu.dma_semaphore, #tpu.memory_space<semaphore_mem>>
      tpu.enqueue_dma source(%arg5 : memref<128xf32, #tpu.memory_space<hbm>>) target(%arg14 : memref<128xf32, #tpu.memory_space<vmem>>) target_semaphore(%run_scoped3A_88 : memref<!tpu.dma_semaphore, #tpu.memory_space<semaphore_mem>>)
      tpu.wait_dma2 semaphore(%run_scoped3A_88 : memref<!tpu.dma_semaphore, #tpu.memory_space<semaphore_mem>>) src(%arg5 : memref<128xf32, #tpu.memory_space<hbm>>) dst(%arg14 : memref<128xf32, #tpu.memory_space<vmem>>)
      tpu.yield
    }) : () -> ()
    %barrier3A = arith.constant 0 : index
    tpu.barrier barrier_id(%barrier3A)
    %add3A_35 = arith.constant 0 : i32
    %add3A_36 = arith.addi %multiple_of3A, %add3A_35 : i32
    "tpu.region"() ({
      %run_scoped3A_88 = tpu.sem_alloc : memref<!tpu.dma_semaphore, #tpu.memory_space<semaphore_mem>>
      %dma_start3A_89 = arith.constant 0 : i32
      %dma_start3A_90 = tpu.memref_slice %arg3[%add3A_36, %dma_start3A_89] : memref<2560x128xi32, #tpu.memory_space<hbm>> -> memref<40x128xi32, #tpu.memory_space<hbm>>
      %dma_start3A_91 = arith.constant 0 : i32
      %dma_start3A_92 = tpu.memref_slice %arg3[%add3A_36, %dma_start3A_91] : memref<2560x128xi32, #tpu.memory_space<hbm>> -> memref<40x128xi32, #tpu.memory_space<hbm>>
      tpu.enqueue_dma source(%dma_start3A_92 : memref<40x128xi32, #tpu.memory_space<hbm>>) target(%arg10 : memref<40x128xi32, #tpu.memory_space<vmem>>) target_semaphore(%run_scoped3A_88 : memref<!tpu.dma_semaphore, #tpu.memory_space<semaphore_mem>>)
      %dma_wait3A = arith.constant 0 : i32
      %dma_wait3A_93 = tpu.memref_slice %arg3[%add3A_36, %dma_wait3A] : memref<2560x128xi32, #tpu.memory_space<hbm>> -> memref<40x128xi32, #tpu.memory_space<hbm>>
      %dma_wait3A_94 = arith.constant 0 : i32
      %dma_wait3A_95 = tpu.memref_slice %arg3[%add3A_36, %dma_wait3A_94] : memref<2560x128xi32, #tpu.memory_space<hbm>> -> memref<40x128xi32, #tpu.memory_space<hbm>>
      tpu.wait_dma2 semaphore(%run_scoped3A_88 : memref<!tpu.dma_semaphore, #tpu.memory_space<semaphore_mem>>) src(%dma_wait3A_95 : memref<40x128xi32, #tpu.memory_space<hbm>>) dst(%arg10 : memref<40x128xi32, #tpu.memory_space<vmem>>)
      tpu.yield
    }) : () -> ()
    %add3A_37 = arith.constant 0 : i32
    %add3A_38 = arith.addi %multiple_of3A, %add3A_37 : i32
    "tpu.region"() ({
      %run_scoped3A_88 = tpu.sem_alloc : memref<!tpu.dma_semaphore, #tpu.memory_space<semaphore_mem>>
      %dma_start3A_89 = arith.constant 0 : i32
      %dma_start3A_90 = tpu.memref_slice %arg4[%add3A_38, %dma_start3A_89] : memref<2560x128xi32, #tpu.memory_space<hbm>> -> memref<40x128xi32, #tpu.memory_space<hbm>>
      %dma_start3A_91 = arith.constant 0 : i32
      %dma_start3A_92 = tpu.memref_slice %arg4[%add3A_38, %dma_start3A_91] : memref<2560x128xi32, #tpu.memory_space<hbm>> -> memref<40x128xi32, #tpu.memory_space<hbm>>
      tpu.enqueue_dma source(%dma_start3A_92 : memref<40x128xi32, #tpu.memory_space<hbm>>) target(%arg11 : memref<40x128xi32, #tpu.memory_space<vmem>>) target_semaphore(%run_scoped3A_88 : memref<!tpu.dma_semaphore, #tpu.memory_space<semaphore_mem>>)
      %dma_wait3A = arith.constant 0 : i32
      %dma_wait3A_93 = tpu.memref_slice %arg4[%add3A_38, %dma_wait3A] : memref<2560x128xi32, #tpu.memory_space<hbm>> -> memref<40x128xi32, #tpu.memory_space<hbm>>
      %dma_wait3A_94 = arith.constant 0 : i32
      %dma_wait3A_95 = tpu.memref_slice %arg4[%add3A_38, %dma_wait3A_94] : memref<2560x128xi32, #tpu.memory_space<hbm>> -> memref<40x128xi32, #tpu.memory_space<hbm>>
      tpu.wait_dma2 semaphore(%run_scoped3A_88 : memref<!tpu.dma_semaphore, #tpu.memory_space<semaphore_mem>>) src(%dma_wait3A_95 : memref<40x128xi32, #tpu.memory_space<hbm>>) dst(%arg11 : memref<40x128xi32, #tpu.memory_space<vmem>>)
      tpu.yield
    }) : () -> ()
    %dma_start3A = arith.constant 0 : i32
    %dma_start3A_39 = arith.constant 0 : i32
    %dma_start3A_40 = tpu.memref_slice %arg10[%dma_start3A, %dma_start3A_39] : memref<40x128xi32, #tpu.memory_space<vmem>> -> memref<1x128xi32, #tpu.memory_space<vmem>>
    %dma_start3A_41 = tpu.memref_squeeze %dma_start3A_40 : memref<1x128xi32, #tpu.memory_space<vmem>> -> memref<128xi32, #tpu.memory_space<vmem>>
    %dma_start3A_42 = arith.constant 0 : i32
    %dma_start3A_43 = arith.constant 0 : i32
    %dma_start3A_44 = tpu.memref_slice %arg2[%dma_start3A_42, %dma_start3A_43] : memref<10000x128xf32, #tpu.memory_space<hbm>> -> memref<10000x128xf32, #tpu.memory_space<hbm>>
    tpu.enqueue_indirect_dma source(%dma_start3A_44 : memref<10000x128xf32, #tpu.memory_space<hbm>>) target(%arg12 : memref<128x128xf32, #tpu.memory_space<vmem>>) offsets(%dma_start3A_41 : memref<128xi32, #tpu.memory_space<vmem>>) semaphore(%arg15 : memref<!tpu.dma_semaphore, #tpu.memory_space<semaphore_mem>>)
    %dma_start3A_45 = arith.constant 1 : i32
    %dma_start3A_46 = arith.constant 0 : i32
    %dma_start3A_47 = tpu.memref_slice %arg10[%dma_start3A_45, %dma_start3A_46] : memref<40x128xi32, #tpu.memory_space<vmem>> -> memref<1x128xi32, #tpu.memory_space<vmem>>
    %dma_start3A_48 = tpu.memref_squeeze %dma_start3A_47 : memref<1x128xi32, #tpu.memory_space<vmem>> -> memref<128xi32, #tpu.memory_space<vmem>>
    %dma_start3A_49 = arith.constant 0 : i32
    %dma_start3A_50 = arith.constant 0 : i32
    %dma_start3A_51 = tpu.memref_slice %arg2[%dma_start3A_49, %dma_start3A_50] : memref<10000x128xf32, #tpu.memory_space<hbm>> -> memref<10000x128xf32, #tpu.memory_space<hbm>>
    tpu.enqueue_indirect_dma source(%dma_start3A_51 : memref<10000x128xf32, #tpu.memory_space<hbm>>) target(%arg13 : memref<128x128xf32, #tpu.memory_space<vmem>>) offsets(%dma_start3A_48 : memref<128xi32, #tpu.memory_space<vmem>>) semaphore(%arg16 : memref<!tpu.dma_semaphore, #tpu.memory_space<semaphore_mem>>)
    %scan3A_52 = arith.constant 0 : i32
    %scan3A_53 = arith.constant 0 : i32
    %scan3A_54 = arith.constant 20 : i32
    %scan3A_55 = arith.addi %scan3A_53, %scan3A_54 : i32
    %scan3A_56 = arith.constant 1 : i32
    %scan3A_57 = scf.for %scan3A_88 = %scan3A_53 to %scan3A_55 step %scan3A_56 iter_args(%scan3A_89 = %scan3A_52) -> (i32)  : i32 {
      %mul3A_90 = arith.constant 2 : i32
      %mul3A_91 = arith.muli %scan3A_88, %mul3A_90 : i32
      %add3A_92 = arith.constant 0 : i32
      %add3A_93 = arith.addi %mul3A_91, %add3A_92 : i32
      %dma_wait3A = arith.constant 0 : i32
      %dma_wait3A_94 = tpu.memref_slice %arg10[%add3A_93, %dma_wait3A] : memref<40x128xi32, #tpu.memory_space<vmem>> -> memref<1x128xi32, #tpu.memory_space<vmem>>
      %dma_wait3A_95 = tpu.memref_squeeze %dma_wait3A_94 : memref<1x128xi32, #tpu.memory_space<vmem>> -> memref<128xi32, #tpu.memory_space<vmem>>
      %dma_wait3A_96 = arith.constant 0 : i32
      %dma_wait3A_97 = arith.constant 0 : i32
      %dma_wait3A_98 = tpu.memref_slice %arg2[%dma_wait3A_96, %dma_wait3A_97] : memref<10000x128xf32, #tpu.memory_space<hbm>> -> memref<10000x128xf32, #tpu.memory_space<hbm>>
      tpu.wait_indirect_dma semaphore(%arg15 : memref<!tpu.dma_semaphore, #tpu.memory_space<semaphore_mem>>) src(%dma_wait3A_98 : memref<10000x128xf32, #tpu.memory_space<hbm>>) dst(%arg12 : memref<128x128xf32, #tpu.memory_space<vmem>>)
      "tpu.region"() ({
        %run_scoped3A_121 = tpu.sem_alloc : memref<!tpu.dma_semaphore, #tpu.memory_space<semaphore_mem>>
        %dma_start3A_122 = arith.constant 0 : i32
        %dma_start3A_123 = tpu.memref_slice %arg11[%add3A_93, %dma_start3A_122] : memref<40x128xi32, #tpu.memory_space<vmem>> -> memref<1x128xi32, #tpu.memory_space<vmem>>
        %dma_start3A_124 = tpu.memref_squeeze %dma_start3A_123 : memref<1x128xi32, #tpu.memory_space<vmem>> -> memref<128xi32, #tpu.memory_space<vmem>>
        %dma_start3A_125 = arith.constant 0 : i32
        %dma_start3A_126 = arith.constant 0 : i32
        %dma_start3A_127 = tpu.memref_slice %arg8[%dma_start3A_125, %dma_start3A_126] : memref<10240x128xf32, #tpu.memory_space<vmem_shared>> -> memref<10240x128xf32, #tpu.memory_space<vmem_shared>>
        tpu.enqueue_indirect_dma source(%arg12 : memref<128x128xf32, #tpu.memory_space<vmem>>) target(%dma_start3A_127 : memref<10240x128xf32, #tpu.memory_space<vmem_shared>>) offsets(%dma_start3A_124 : memref<128xi32, #tpu.memory_space<vmem>>) semaphore(%run_scoped3A_121 : memref<!tpu.dma_semaphore, #tpu.memory_space<semaphore_mem>>) {add = true}
        %dma_wait3A_128 = arith.constant 0 : i32
        %dma_wait3A_129 = tpu.memref_slice %arg11[%add3A_93, %dma_wait3A_128] : memref<40x128xi32, #tpu.memory_space<vmem>> -> memref<1x128xi32, #tpu.memory_space<vmem>>
        %dma_wait3A_130 = tpu.memref_squeeze %dma_wait3A_129 : memref<1x128xi32, #tpu.memory_space<vmem>> -> memref<128xi32, #tpu.memory_space<vmem>>
        %dma_wait3A_131 = arith.constant 0 : i32
        %dma_wait3A_132 = arith.constant 0 : i32
        %dma_wait3A_133 = tpu.memref_slice %arg8[%dma_wait3A_131, %dma_wait3A_132] : memref<10240x128xf32, #tpu.memory_space<vmem_shared>> -> memref<10240x128xf32, #tpu.memory_space<vmem_shared>>
        tpu.wait_indirect_dma semaphore(%run_scoped3A_121 : memref<!tpu.dma_semaphore, #tpu.memory_space<semaphore_mem>>) src(%arg12 : memref<128x128xf32, #tpu.memory_space<vmem>>) dst(%dma_wait3A_133 : memref<10240x128xf32, #tpu.memory_space<vmem_shared>>)
        tpu.yield
      }) : () -> ()
      "tpu.region"() ({
        %run_scoped3A_121 = tpu.sem_alloc : memref<!tpu.dma_semaphore, #tpu.memory_space<semaphore_mem>>
        %dma_start3A_122 = arith.constant 0 : i32
        %dma_start3A_123 = tpu.memref_slice %arg11[%add3A_93, %dma_start3A_122] : memref<40x128xi32, #tpu.memory_space<vmem>> -> memref<1x128xi32, #tpu.memory_space<vmem>>
        %dma_start3A_124 = tpu.memref_squeeze %dma_start3A_123 : memref<1x128xi32, #tpu.memory_space<vmem>> -> memref<128xi32, #tpu.memory_space<vmem>>
        %dma_start3A_125 = arith.constant 0 : i32
        %dma_start3A_126 = tpu.memref_slice %arg9[%dma_start3A_125] : memref<10240xf32, #tpu.memory_space<vmem_shared>> -> memref<10240xf32, #tpu.memory_space<vmem_shared>>
        tpu.enqueue_indirect_dma source(%arg14 : memref<128xf32, #tpu.memory_space<vmem>>) target(%dma_start3A_126 : memref<10240xf32, #tpu.memory_space<vmem_shared>>) offsets(%dma_start3A_124 : memref<128xi32, #tpu.memory_space<vmem>>) semaphore(%run_scoped3A_121 : memref<!tpu.dma_semaphore, #tpu.memory_space<semaphore_mem>>) {add = true}
        %dma_wait3A_127 = arith.constant 0 : i32
        %dma_wait3A_128 = tpu.memref_slice %arg11[%add3A_93, %dma_wait3A_127] : memref<40x128xi32, #tpu.memory_space<vmem>> -> memref<1x128xi32, #tpu.memory_space<vmem>>
        %dma_wait3A_129 = tpu.memref_squeeze %dma_wait3A_128 : memref<1x128xi32, #tpu.memory_space<vmem>> -> memref<128xi32, #tpu.memory_space<vmem>>
        %dma_wait3A_130 = arith.constant 0 : i32
        %dma_wait3A_131 = tpu.memref_slice %arg9[%dma_wait3A_130] : memref<10240xf32, #tpu.memory_space<vmem_shared>> -> memref<10240xf32, #tpu.memory_space<vmem_shared>>
        tpu.wait_indirect_dma semaphore(%run_scoped3A_121 : memref<!tpu.dma_semaphore, #tpu.memory_space<semaphore_mem>>) src(%arg14 : memref<128xf32, #tpu.memory_space<vmem>>) dst(%dma_wait3A_131 : memref<10240xf32, #tpu.memory_space<vmem_shared>>)
        tpu.yield
      }) : () -> ()
      %add3A_99 = arith.constant 2 : i32
      %add3A_100 = arith.addi %add3A_93, %add3A_99 : i32
      %lt3A = arith.constant 40 : i32
      %lt3A_101 = arith.cmpi slt, %add3A_100, %lt3A : i32
      %convert_element_type3A = arith.extui %lt3A_101 : i1 to i32
      %cond3A = arith.constant 0 : i32
      %cond3A_102 = arith.cmpi ne, %convert_element_type3A, %cond3A : i32
      scf.if %cond3A_102 {
        %add3A_121 = arith.constant 2 : i32
        %add3A_122 = arith.addi %add3A_93, %add3A_121 : i32
        %dma_start3A_123 = arith.constant 0 : i32
        %dma_start3A_124 = tpu.memref_slice %arg10[%add3A_122, %dma_start3A_123] : memref<40x128xi32, #tpu.memory_space<vmem>> -> memref<1x128xi32, #tpu.memory_space<vmem>>
        %dma_start3A_125 = tpu.memref_squeeze %dma_start3A_124 : memref<1x128xi32, #tpu.memory_space<vmem>> -> memref<128xi32, #tpu.memory_space<vmem>>
        %dma_start3A_126 = arith.constant 0 : i32
        %dma_start3A_127 = arith.constant 0 : i32
        %dma_start3A_128 = tpu.memref_slice %arg2[%dma_start3A_126, %dma_start3A_127] : memref<10000x128xf32, #tpu.memory_space<hbm>> -> memref<10000x128xf32, #tpu.memory_space<hbm>>
        tpu.enqueue_indirect_dma source(%dma_start3A_128 : memref<10000x128xf32, #tpu.memory_space<hbm>>) target(%arg12 : memref<128x128xf32, #tpu.memory_space<vmem>>) offsets(%dma_start3A_125 : memref<128xi32, #tpu.memory_space<vmem>>) semaphore(%arg15 : memref<!tpu.dma_semaphore, #tpu.memory_space<semaphore_mem>>)
      } else {
      }
      %mul3A_103 = arith.constant 2 : i32
      %mul3A_104 = arith.muli %scan3A_88, %mul3A_103 : i32
      %add3A_105 = arith.constant 1 : i32
      %add3A_106 = arith.addi %mul3A_104, %add3A_105 : i32
      %dma_wait3A_107 = arith.constant 0 : i32
      %dma_wait3A_108 = tpu.memref_slice %arg10[%add3A_106, %dma_wait3A_107] : memref<40x128xi32, #tpu.memory_space<vmem>> -> memref<1x128xi32, #tpu.memory_space<vmem>>
      %dma_wait3A_109 = tpu.memref_squeeze %dma_wait3A_108 : memref<1x128xi32, #tpu.memory_space<vmem>> -> memref<128xi32, #tpu.memory_space<vmem>>
      %dma_wait3A_110 = arith.constant 0 : i32
      %dma_wait3A_111 = arith.constant 0 : i32
      %dma_wait3A_112 = tpu.memref_slice %arg2[%dma_wait3A_110, %dma_wait3A_111] : memref<10000x128xf32, #tpu.memory_space<hbm>> -> memref<10000x128xf32, #tpu.memory_space<hbm>>
      tpu.wait_indirect_dma semaphore(%arg16 : memref<!tpu.dma_semaphore, #tpu.memory_space<semaphore_mem>>) src(%dma_wait3A_112 : memref<10000x128xf32, #tpu.memory_space<hbm>>) dst(%arg13 : memref<128x128xf32, #tpu.memory_space<vmem>>)
      "tpu.region"() ({
        %run_scoped3A_121 = tpu.sem_alloc : memref<!tpu.dma_semaphore, #tpu.memory_space<semaphore_mem>>
        %dma_start3A_122 = arith.constant 0 : i32
        %dma_start3A_123 = tpu.memref_slice %arg11[%add3A_106, %dma_start3A_122] : memref<40x128xi32, #tpu.memory_space<vmem>> -> memref<1x128xi32, #tpu.memory_space<vmem>>
        %dma_start3A_124 = tpu.memref_squeeze %dma_start3A_123 : memref<1x128xi32, #tpu.memory_space<vmem>> -> memref<128xi32, #tpu.memory_space<vmem>>
        %dma_start3A_125 = arith.constant 0 : i32
        %dma_start3A_126 = arith.constant 0 : i32
        %dma_start3A_127 = tpu.memref_slice %arg8[%dma_start3A_125, %dma_start3A_126] : memref<10240x128xf32, #tpu.memory_space<vmem_shared>> -> memref<10240x128xf32, #tpu.memory_space<vmem_shared>>
        tpu.enqueue_indirect_dma source(%arg13 : memref<128x128xf32, #tpu.memory_space<vmem>>) target(%dma_start3A_127 : memref<10240x128xf32, #tpu.memory_space<vmem_shared>>) offsets(%dma_start3A_124 : memref<128xi32, #tpu.memory_space<vmem>>) semaphore(%run_scoped3A_121 : memref<!tpu.dma_semaphore, #tpu.memory_space<semaphore_mem>>) {add = true}
        %dma_wait3A_128 = arith.constant 0 : i32
        %dma_wait3A_129 = tpu.memref_slice %arg11[%add3A_106, %dma_wait3A_128] : memref<40x128xi32, #tpu.memory_space<vmem>> -> memref<1x128xi32, #tpu.memory_space<vmem>>
        %dma_wait3A_130 = tpu.memref_squeeze %dma_wait3A_129 : memref<1x128xi32, #tpu.memory_space<vmem>> -> memref<128xi32, #tpu.memory_space<vmem>>
        %dma_wait3A_131 = arith.constant 0 : i32
        %dma_wait3A_132 = arith.constant 0 : i32
        %dma_wait3A_133 = tpu.memref_slice %arg8[%dma_wait3A_131, %dma_wait3A_132] : memref<10240x128xf32, #tpu.memory_space<vmem_shared>> -> memref<10240x128xf32, #tpu.memory_space<vmem_shared>>
        tpu.wait_indirect_dma semaphore(%run_scoped3A_121 : memref<!tpu.dma_semaphore, #tpu.memory_space<semaphore_mem>>) src(%arg13 : memref<128x128xf32, #tpu.memory_space<vmem>>) dst(%dma_wait3A_133 : memref<10240x128xf32, #tpu.memory_space<vmem_shared>>)
        tpu.yield
      }) : () -> ()
      "tpu.region"() ({
        %run_scoped3A_121 = tpu.sem_alloc : memref<!tpu.dma_semaphore, #tpu.memory_space<semaphore_mem>>
        %dma_start3A_122 = arith.constant 0 : i32
        %dma_start3A_123 = tpu.memref_slice %arg11[%add3A_106, %dma_start3A_122] : memref<40x128xi32, #tpu.memory_space<vmem>> -> memref<1x128xi32, #tpu.memory_space<vmem>>
        %dma_start3A_124 = tpu.memref_squeeze %dma_start3A_123 : memref<1x128xi32, #tpu.memory_space<vmem>> -> memref<128xi32, #tpu.memory_space<vmem>>
        %dma_start3A_125 = arith.constant 0 : i32
        %dma_start3A_126 = tpu.memref_slice %arg9[%dma_start3A_125] : memref<10240xf32, #tpu.memory_space<vmem_shared>> -> memref<10240xf32, #tpu.memory_space<vmem_shared>>
        tpu.enqueue_indirect_dma source(%arg14 : memref<128xf32, #tpu.memory_space<vmem>>) target(%dma_start3A_126 : memref<10240xf32, #tpu.memory_space<vmem_shared>>) offsets(%dma_start3A_124 : memref<128xi32, #tpu.memory_space<vmem>>) semaphore(%run_scoped3A_121 : memref<!tpu.dma_semaphore, #tpu.memory_space<semaphore_mem>>) {add = true}
        %dma_wait3A_127 = arith.constant 0 : i32
        %dma_wait3A_128 = tpu.memref_slice %arg11[%add3A_106, %dma_wait3A_127] : memref<40x128xi32, #tpu.memory_space<vmem>> -> memref<1x128xi32, #tpu.memory_space<vmem>>
        %dma_wait3A_129 = tpu.memref_squeeze %dma_wait3A_128 : memref<1x128xi32, #tpu.memory_space<vmem>> -> memref<128xi32, #tpu.memory_space<vmem>>
        %dma_wait3A_130 = arith.constant 0 : i32
        %dma_wait3A_131 = tpu.memref_slice %arg9[%dma_wait3A_130] : memref<10240xf32, #tpu.memory_space<vmem_shared>> -> memref<10240xf32, #tpu.memory_space<vmem_shared>>
        tpu.wait_indirect_dma semaphore(%run_scoped3A_121 : memref<!tpu.dma_semaphore, #tpu.memory_space<semaphore_mem>>) src(%arg14 : memref<128xf32, #tpu.memory_space<vmem>>) dst(%dma_wait3A_131 : memref<10240xf32, #tpu.memory_space<vmem_shared>>)
        tpu.yield
      }) : () -> ()
      %add3A_113 = arith.constant 2 : i32
      %add3A_114 = arith.addi %add3A_106, %add3A_113 : i32
      %lt3A_115 = arith.constant 40 : i32
      %lt3A_116 = arith.cmpi slt, %add3A_114, %lt3A_115 : i32
      %convert_element_type3A_117 = arith.extui %lt3A_116 : i1 to i32
      %cond3A_118 = arith.constant 0 : i32
      %cond3A_119 = arith.cmpi ne, %convert_element_type3A_117, %cond3A_118 : i32
      scf.if %cond3A_119 {
        %add3A_121 = arith.constant 2 : i32
        %add3A_122 = arith.addi %add3A_106, %add3A_121 : i32
        %dma_start3A_123 = arith.constant 0 : i32
        %dma_start3A_124 = tpu.memref_slice %arg10[%add3A_122, %dma_start3A_123] : memref<40x128xi32, #tpu.memory_space<vmem>> -> memref<1x128xi32, #tpu.memory_space<vmem>>
        %dma_start3A_125 = tpu.memref_squeeze %dma_start3A_124 : memref<1x128xi32, #tpu.memory_space<vmem>> -> memref<128xi32, #tpu.memory_space<vmem>>
        %dma_start3A_126 = arith.constant 0 : i32
        %dma_start3A_127 = arith.constant 0 : i32
        %dma_start3A_128 = tpu.memref_slice %arg2[%dma_start3A_126, %dma_start3A_127] : memref<10000x128xf32, #tpu.memory_space<hbm>> -> memref<10000x128xf32, #tpu.memory_space<hbm>>
        tpu.enqueue_indirect_dma source(%dma_start3A_128 : memref<10000x128xf32, #tpu.memory_space<hbm>>) target(%arg13 : memref<128x128xf32, #tpu.memory_space<vmem>>) offsets(%dma_start3A_125 : memref<128xi32, #tpu.memory_space<vmem>>) semaphore(%arg16 : memref<!tpu.dma_semaphore, #tpu.memory_space<semaphore_mem>>)
      } else {
      }
      %scan3A_120 = arith.constant 0 : i32
      scf.yield %scan3A_120 : i32
    }
    %scan3A_58 = arith.constant 20 : i32
    %add3A_59 = arith.constant 40 : i32
    %add3A_60 = arith.addi %multiple_of3A, %add3A_59 : i32
    "tpu.region"() ({
      %run_scoped3A_88 = tpu.sem_alloc : memref<!tpu.dma_semaphore, #tpu.memory_space<semaphore_mem>>
      %dma_start3A_89 = arith.constant 0 : i32
      %dma_start3A_90 = tpu.memref_slice %arg3[%add3A_60, %dma_start3A_89] : memref<2560x128xi32, #tpu.memory_space<hbm>> -> memref<40x128xi32, #tpu.memory_space<hbm>>
      %dma_start3A_91 = arith.constant 0 : i32
      %dma_start3A_92 = tpu.memref_slice %arg3[%add3A_60, %dma_start3A_91] : memref<2560x128xi32, #tpu.memory_space<hbm>> -> memref<40x128xi32, #tpu.memory_space<hbm>>
      tpu.enqueue_dma source(%dma_start3A_92 : memref<40x128xi32, #tpu.memory_space<hbm>>) target(%arg10 : memref<40x128xi32, #tpu.memory_space<vmem>>) target_semaphore(%run_scoped3A_88 : memref<!tpu.dma_semaphore, #tpu.memory_space<semaphore_mem>>)
      %dma_wait3A = arith.constant 0 : i32
      %dma_wait3A_93 = tpu.memref_slice %arg3[%add3A_60, %dma_wait3A] : memref<2560x128xi32, #tpu.memory_space<hbm>> -> memref<40x128xi32, #tpu.memory_space<hbm>>
      %dma_wait3A_94 = arith.constant 0 : i32
      %dma_wait3A_95 = tpu.memref_slice %arg3[%add3A_60, %dma_wait3A_94] : memref<2560x128xi32, #tpu.memory_space<hbm>> -> memref<40x128xi32, #tpu.memory_space<hbm>>
      tpu.wait_dma2 semaphore(%run_scoped3A_88 : memref<!tpu.dma_semaphore, #tpu.memory_space<semaphore_mem>>) src(%dma_wait3A_95 : memref<40x128xi32, #tpu.memory_space<hbm>>) dst(%arg10 : memref<40x128xi32, #tpu.memory_space<vmem>>)
      tpu.yield
    }) : () -> ()
    %add3A_61 = arith.constant 40 : i32
    %add3A_62 = arith.addi %multiple_of3A, %add3A_61 : i32
    "tpu.region"() ({
      %run_scoped3A_88 = tpu.sem_alloc : memref<!tpu.dma_semaphore, #tpu.memory_space<semaphore_mem>>
      %dma_start3A_89 = arith.constant 0 : i32
      %dma_start3A_90 = tpu.memref_slice %arg4[%add3A_62, %dma_start3A_89] : memref<2560x128xi32, #tpu.memory_space<hbm>> -> memref<40x128xi32, #tpu.memory_space<hbm>>
      %dma_start3A_91 = arith.constant 0 : i32
      %dma_start3A_92 = tpu.memref_slice %arg4[%add3A_62, %dma_start3A_91] : memref<2560x128xi32, #tpu.memory_space<hbm>> -> memref<40x128xi32, #tpu.memory_space<hbm>>
      tpu.enqueue_dma source(%dma_start3A_92 : memref<40x128xi32, #tpu.memory_space<hbm>>) target(%arg11 : memref<40x128xi32, #tpu.memory_space<vmem>>) target_semaphore(%run_scoped3A_88 : memref<!tpu.dma_semaphore, #tpu.memory_space<semaphore_mem>>)
      %dma_wait3A = arith.constant 0 : i32
      %dma_wait3A_93 = tpu.memref_slice %arg4[%add3A_62, %dma_wait3A] : memref<2560x128xi32, #tpu.memory_space<hbm>> -> memref<40x128xi32, #tpu.memory_space<hbm>>
      %dma_wait3A_94 = arith.constant 0 : i32
      %dma_wait3A_95 = tpu.memref_slice %arg4[%add3A_62, %dma_wait3A_94] : memref<2560x128xi32, #tpu.memory_space<hbm>> -> memref<40x128xi32, #tpu.memory_space<hbm>>
      tpu.wait_dma2 semaphore(%run_scoped3A_88 : memref<!tpu.dma_semaphore, #tpu.memory_space<semaphore_mem>>) src(%dma_wait3A_95 : memref<40x128xi32, #tpu.memory_space<hbm>>) dst(%arg11 : memref<40x128xi32, #tpu.memory_space<vmem>>)
      tpu.yield
    }) : () -> ()
    %dma_start3A_63 = arith.constant 0 : i32
    %dma_start3A_64 = arith.constant 0 : i32
    %dma_start3A_65 = tpu.memref_slice %arg10[%dma_start3A_63, %dma_start3A_64] : memref<40x128xi32, #tpu.memory_space<vmem>> -> memref<1x128xi32, #tpu.memory_space<vmem>>
    %dma_start3A_66 = tpu.memref_squeeze %dma_start3A_65 : memref<1x128xi32, #tpu.memory_space<vmem>> -> memref<128xi32, #tpu.memory_space<vmem>>
    %dma_start3A_67 = arith.constant 0 : i32
    %dma_start3A_68 = arith.constant 0 : i32
    %dma_start3A_69 = tpu.memref_slice %arg2[%dma_start3A_67, %dma_start3A_68] : memref<10000x128xf32, #tpu.memory_space<hbm>> -> memref<10000x128xf32, #tpu.memory_space<hbm>>
    tpu.enqueue_indirect_dma source(%dma_start3A_69 : memref<10000x128xf32, #tpu.memory_space<hbm>>) target(%arg12 : memref<128x128xf32, #tpu.memory_space<vmem>>) offsets(%dma_start3A_66 : memref<128xi32, #tpu.memory_space<vmem>>) semaphore(%arg15 : memref<!tpu.dma_semaphore, #tpu.memory_space<semaphore_mem>>)
    %dma_start3A_70 = arith.constant 1 : i32
    %dma_start3A_71 = arith.constant 0 : i32
    %dma_start3A_72 = tpu.memref_slice %arg10[%dma_start3A_70, %dma_start3A_71] : memref<40x128xi32, #tpu.memory_space<vmem>> -> memref<1x128xi32, #tpu.memory_space<vmem>>
    %dma_start3A_73 = tpu.memref_squeeze %dma_start3A_72 : memref<1x128xi32, #tpu.memory_space<vmem>> -> memref<128xi32, #tpu.memory_space<vmem>>
    %dma_start3A_74 = arith.constant 0 : i32
    %dma_start3A_75 = arith.constant 0 : i32
    %dma_start3A_76 = tpu.memref_slice %arg2[%dma_start3A_74, %dma_start3A_75] : memref<10000x128xf32, #tpu.memory_space<hbm>> -> memref<10000x128xf32, #tpu.memory_space<hbm>>
    tpu.enqueue_indirect_dma source(%dma_start3A_76 : memref<10000x128xf32, #tpu.memory_space<hbm>>) target(%arg13 : memref<128x128xf32, #tpu.memory_space<vmem>>) offsets(%dma_start3A_73 : memref<128xi32, #tpu.memory_space<vmem>>) semaphore(%arg16 : memref<!tpu.dma_semaphore, #tpu.memory_space<semaphore_mem>>)
    %scan3A_77 = arith.constant 0 : i32
    %scan3A_78 = arith.constant 0 : i32
    %scan3A_79 = arith.constant 20 : i32
    %scan3A_80 = arith.addi %scan3A_78, %scan3A_79 : i32
    %scan3A_81 = arith.constant 1 : i32
    %scan3A_82 = scf.for %scan3A_88 = %scan3A_78 to %scan3A_80 step %scan3A_81 iter_args(%scan3A_89 = %scan3A_77) -> (i32)  : i32 {
      %mul3A_90 = arith.constant 2 : i32
      %mul3A_91 = arith.muli %scan3A_88, %mul3A_90 : i32
      %add3A_92 = arith.constant 0 : i32
      %add3A_93 = arith.addi %mul3A_91, %add3A_92 : i32
      %dma_wait3A = arith.constant 0 : i32
      %dma_wait3A_94 = tpu.memref_slice %arg10[%add3A_93, %dma_wait3A] : memref<40x128xi32, #tpu.memory_space<vmem>> -> memref<1x128xi32, #tpu.memory_space<vmem>>
      %dma_wait3A_95 = tpu.memref_squeeze %dma_wait3A_94 : memref<1x128xi32, #tpu.memory_space<vmem>> -> memref<128xi32, #tpu.memory_space<vmem>>
      %dma_wait3A_96 = arith.constant 0 : i32
      %dma_wait3A_97 = arith.constant 0 : i32
      %dma_wait3A_98 = tpu.memref_slice %arg2[%dma_wait3A_96, %dma_wait3A_97] : memref<10000x128xf32, #tpu.memory_space<hbm>> -> memref<10000x128xf32, #tpu.memory_space<hbm>>
      tpu.wait_indirect_dma semaphore(%arg15 : memref<!tpu.dma_semaphore, #tpu.memory_space<semaphore_mem>>) src(%dma_wait3A_98 : memref<10000x128xf32, #tpu.memory_space<hbm>>) dst(%arg12 : memref<128x128xf32, #tpu.memory_space<vmem>>)
      "tpu.region"() ({
        %run_scoped3A_121 = tpu.sem_alloc : memref<!tpu.dma_semaphore, #tpu.memory_space<semaphore_mem>>
        %dma_start3A_122 = arith.constant 0 : i32
        %dma_start3A_123 = tpu.memref_slice %arg11[%add3A_93, %dma_start3A_122] : memref<40x128xi32, #tpu.memory_space<vmem>> -> memref<1x128xi32, #tpu.memory_space<vmem>>
        %dma_start3A_124 = tpu.memref_squeeze %dma_start3A_123 : memref<1x128xi32, #tpu.memory_space<vmem>> -> memref<128xi32, #tpu.memory_space<vmem>>
        %dma_start3A_125 = arith.constant 0 : i32
        %dma_start3A_126 = arith.constant 0 : i32
        %dma_start3A_127 = tpu.memref_slice %arg8[%dma_start3A_125, %dma_start3A_126] : memref<10240x128xf32, #tpu.memory_space<vmem_shared>> -> memref<10240x128xf32, #tpu.memory_space<vmem_shared>>
        tpu.enqueue_indirect_dma source(%arg12 : memref<128x128xf32, #tpu.memory_space<vmem>>) target(%dma_start3A_127 : memref<10240x128xf32, #tpu.memory_space<vmem_shared>>) offsets(%dma_start3A_124 : memref<128xi32, #tpu.memory_space<vmem>>) semaphore(%run_scoped3A_121 : memref<!tpu.dma_semaphore, #tpu.memory_space<semaphore_mem>>) {add = true}
        %dma_wait3A_128 = arith.constant 0 : i32
        %dma_wait3A_129 = tpu.memref_slice %arg11[%add3A_93, %dma_wait3A_128] : memref<40x128xi32, #tpu.memory_space<vmem>> -> memref<1x128xi32, #tpu.memory_space<vmem>>
        %dma_wait3A_130 = tpu.memref_squeeze %dma_wait3A_129 : memref<1x128xi32, #tpu.memory_space<vmem>> -> memref<128xi32, #tpu.memory_space<vmem>>
        %dma_wait3A_131 = arith.constant 0 : i32
        %dma_wait3A_132 = arith.constant 0 : i32
        %dma_wait3A_133 = tpu.memref_slice %arg8[%dma_wait3A_131, %dma_wait3A_132] : memref<10240x128xf32, #tpu.memory_space<vmem_shared>> -> memref<10240x128xf32, #tpu.memory_space<vmem_shared>>
        tpu.wait_indirect_dma semaphore(%run_scoped3A_121 : memref<!tpu.dma_semaphore, #tpu.memory_space<semaphore_mem>>) src(%arg12 : memref<128x128xf32, #tpu.memory_space<vmem>>) dst(%dma_wait3A_133 : memref<10240x128xf32, #tpu.memory_space<vmem_shared>>)
        tpu.yield
      }) : () -> ()
      "tpu.region"() ({
        %run_scoped3A_121 = tpu.sem_alloc : memref<!tpu.dma_semaphore, #tpu.memory_space<semaphore_mem>>
        %dma_start3A_122 = arith.constant 0 : i32
        %dma_start3A_123 = tpu.memref_slice %arg11[%add3A_93, %dma_start3A_122] : memref<40x128xi32, #tpu.memory_space<vmem>> -> memref<1x128xi32, #tpu.memory_space<vmem>>
        %dma_start3A_124 = tpu.memref_squeeze %dma_start3A_123 : memref<1x128xi32, #tpu.memory_space<vmem>> -> memref<128xi32, #tpu.memory_space<vmem>>
        %dma_start3A_125 = arith.constant 0 : i32
        %dma_start3A_126 = tpu.memref_slice %arg9[%dma_start3A_125] : memref<10240xf32, #tpu.memory_space<vmem_shared>> -> memref<10240xf32, #tpu.memory_space<vmem_shared>>
        tpu.enqueue_indirect_dma source(%arg14 : memref<128xf32, #tpu.memory_space<vmem>>) target(%dma_start3A_126 : memref<10240xf32, #tpu.memory_space<vmem_shared>>) offsets(%dma_start3A_124 : memref<128xi32, #tpu.memory_space<vmem>>) semaphore(%run_scoped3A_121 : memref<!tpu.dma_semaphore, #tpu.memory_space<semaphore_mem>>) {add = true}
        %dma_wait3A_127 = arith.constant 0 : i32
        %dma_wait3A_128 = tpu.memref_slice %arg11[%add3A_93, %dma_wait3A_127] : memref<40x128xi32, #tpu.memory_space<vmem>> -> memref<1x128xi32, #tpu.memory_space<vmem>>
        %dma_wait3A_129 = tpu.memref_squeeze %dma_wait3A_128 : memref<1x128xi32, #tpu.memory_space<vmem>> -> memref<128xi32, #tpu.memory_space<vmem>>
        %dma_wait3A_130 = arith.constant 0 : i32
        %dma_wait3A_131 = tpu.memref_slice %arg9[%dma_wait3A_130] : memref<10240xf32, #tpu.memory_space<vmem_shared>> -> memref<10240xf32, #tpu.memory_space<vmem_shared>>
        tpu.wait_indirect_dma semaphore(%run_scoped3A_121 : memref<!tpu.dma_semaphore, #tpu.memory_space<semaphore_mem>>) src(%arg14 : memref<128xf32, #tpu.memory_space<vmem>>) dst(%dma_wait3A_131 : memref<10240xf32, #tpu.memory_space<vmem_shared>>)
        tpu.yield
      }) : () -> ()
      %add3A_99 = arith.constant 2 : i32
      %add3A_100 = arith.addi %add3A_93, %add3A_99 : i32
      %lt3A = arith.constant 40 : i32
      %lt3A_101 = arith.cmpi slt, %add3A_100, %lt3A : i32
      %convert_element_type3A = arith.extui %lt3A_101 : i1 to i32
      %cond3A = arith.constant 0 : i32
      %cond3A_102 = arith.cmpi ne, %convert_element_type3A, %cond3A : i32
      scf.if %cond3A_102 {
        %add3A_121 = arith.constant 2 : i32
        %add3A_122 = arith.addi %add3A_93, %add3A_121 : i32
        %dma_start3A_123 = arith.constant 0 : i32
        %dma_start3A_124 = tpu.memref_slice %arg10[%add3A_122, %dma_start3A_123] : memref<40x128xi32, #tpu.memory_space<vmem>> -> memref<1x128xi32, #tpu.memory_space<vmem>>
        %dma_start3A_125 = tpu.memref_squeeze %dma_start3A_124 : memref<1x128xi32, #tpu.memory_space<vmem>> -> memref<128xi32, #tpu.memory_space<vmem>>
        %dma_start3A_126 = arith.constant 0 : i32
        %dma_start3A_127 = arith.constant 0 : i32
        %dma_start3A_128 = tpu.memref_slice %arg2[%dma_start3A_126, %dma_start3A_127] : memref<10000x128xf32, #tpu.memory_space<hbm>> -> memref<10000x128xf32, #tpu.memory_space<hbm>>
        tpu.enqueue_indirect_dma source(%dma_start3A_128 : memref<10000x128xf32, #tpu.memory_space<hbm>>) target(%arg12 : memref<128x128xf32, #tpu.memory_space<vmem>>) offsets(%dma_start3A_125 : memref<128xi32, #tpu.memory_space<vmem>>) semaphore(%arg15 : memref<!tpu.dma_semaphore, #tpu.memory_space<semaphore_mem>>)
      } else {
      }
      %mul3A_103 = arith.constant 2 : i32
      %mul3A_104 = arith.muli %scan3A_88, %mul3A_103 : i32
      %add3A_105 = arith.constant 1 : i32
      %add3A_106 = arith.addi %mul3A_104, %add3A_105 : i32
      %dma_wait3A_107 = arith.constant 0 : i32
      %dma_wait3A_108 = tpu.memref_slice %arg10[%add3A_106, %dma_wait3A_107] : memref<40x128xi32, #tpu.memory_space<vmem>> -> memref<1x128xi32, #tpu.memory_space<vmem>>
      %dma_wait3A_109 = tpu.memref_squeeze %dma_wait3A_108 : memref<1x128xi32, #tpu.memory_space<vmem>> -> memref<128xi32, #tpu.memory_space<vmem>>
      %dma_wait3A_110 = arith.constant 0 : i32
      %dma_wait3A_111 = arith.constant 0 : i32
      %dma_wait3A_112 = tpu.memref_slice %arg2[%dma_wait3A_110, %dma_wait3A_111] : memref<10000x128xf32, #tpu.memory_space<hbm>> -> memref<10000x128xf32, #tpu.memory_space<hbm>>
      tpu.wait_indirect_dma semaphore(%arg16 : memref<!tpu.dma_semaphore, #tpu.memory_space<semaphore_mem>>) src(%dma_wait3A_112 : memref<10000x128xf32, #tpu.memory_space<hbm>>) dst(%arg13 : memref<128x128xf32, #tpu.memory_space<vmem>>)
      "tpu.region"() ({
        %run_scoped3A_121 = tpu.sem_alloc : memref<!tpu.dma_semaphore, #tpu.memory_space<semaphore_mem>>
        %dma_start3A_122 = arith.constant 0 : i32
        %dma_start3A_123 = tpu.memref_slice %arg11[%add3A_106, %dma_start3A_122] : memref<40x128xi32, #tpu.memory_space<vmem>> -> memref<1x128xi32, #tpu.memory_space<vmem>>
        %dma_start3A_124 = tpu.memref_squeeze %dma_start3A_123 : memref<1x128xi32, #tpu.memory_space<vmem>> -> memref<128xi32, #tpu.memory_space<vmem>>
        %dma_start3A_125 = arith.constant 0 : i32
        %dma_start3A_126 = arith.constant 0 : i32
        %dma_start3A_127 = tpu.memref_slice %arg8[%dma_start3A_125, %dma_start3A_126] : memref<10240x128xf32, #tpu.memory_space<vmem_shared>> -> memref<10240x128xf32, #tpu.memory_space<vmem_shared>>
        tpu.enqueue_indirect_dma source(%arg13 : memref<128x128xf32, #tpu.memory_space<vmem>>) target(%dma_start3A_127 : memref<10240x128xf32, #tpu.memory_space<vmem_shared>>) offsets(%dma_start3A_124 : memref<128xi32, #tpu.memory_space<vmem>>) semaphore(%run_scoped3A_121 : memref<!tpu.dma_semaphore, #tpu.memory_space<semaphore_mem>>) {add = true}
        %dma_wait3A_128 = arith.constant 0 : i32
        %dma_wait3A_129 = tpu.memref_slice %arg11[%add3A_106, %dma_wait3A_128] : memref<40x128xi32, #tpu.memory_space<vmem>> -> memref<1x128xi32, #tpu.memory_space<vmem>>
        %dma_wait3A_130 = tpu.memref_squeeze %dma_wait3A_129 : memref<1x128xi32, #tpu.memory_space<vmem>> -> memref<128xi32, #tpu.memory_space<vmem>>
        %dma_wait3A_131 = arith.constant 0 : i32
        %dma_wait3A_132 = arith.constant 0 : i32
        %dma_wait3A_133 = tpu.memref_slice %arg8[%dma_wait3A_131, %dma_wait3A_132] : memref<10240x128xf32, #tpu.memory_space<vmem_shared>> -> memref<10240x128xf32, #tpu.memory_space<vmem_shared>>
        tpu.wait_indirect_dma semaphore(%run_scoped3A_121 : memref<!tpu.dma_semaphore, #tpu.memory_space<semaphore_mem>>) src(%arg13 : memref<128x128xf32, #tpu.memory_space<vmem>>) dst(%dma_wait3A_133 : memref<10240x128xf32, #tpu.memory_space<vmem_shared>>)
        tpu.yield
      }) : () -> ()
      "tpu.region"() ({
        %run_scoped3A_121 = tpu.sem_alloc : memref<!tpu.dma_semaphore, #tpu.memory_space<semaphore_mem>>
        %dma_start3A_122 = arith.constant 0 : i32
        %dma_start3A_123 = tpu.memref_slice %arg11[%add3A_106, %dma_start3A_122] : memref<40x128xi32, #tpu.memory_space<vmem>> -> memref<1x128xi32, #tpu.memory_space<vmem>>
        %dma_start3A_124 = tpu.memref_squeeze %dma_start3A_123 : memref<1x128xi32, #tpu.memory_space<vmem>> -> memref<128xi32, #tpu.memory_space<vmem>>
        %dma_start3A_125 = arith.constant 0 : i32
        %dma_start3A_126 = tpu.memref_slice %arg9[%dma_start3A_125] : memref<10240xf32, #tpu.memory_space<vmem_shared>> -> memref<10240xf32, #tpu.memory_space<vmem_shared>>
        tpu.enqueue_indirect_dma source(%arg14 : memref<128xf32, #tpu.memory_space<vmem>>) target(%dma_start3A_126 : memref<10240xf32, #tpu.memory_space<vmem_shared>>) offsets(%dma_start3A_124 : memref<128xi32, #tpu.memory_space<vmem>>) semaphore(%run_scoped3A_121 : memref<!tpu.dma_semaphore, #tpu.memory_space<semaphore_mem>>) {add = true}
        %dma_wait3A_127 = arith.constant 0 : i32
        %dma_wait3A_128 = tpu.memref_slice %arg11[%add3A_106, %dma_wait3A_127] : memref<40x128xi32, #tpu.memory_space<vmem>> -> memref<1x128xi32, #tpu.memory_space<vmem>>
        %dma_wait3A_129 = tpu.memref_squeeze %dma_wait3A_128 : memref<1x128xi32, #tpu.memory_space<vmem>> -> memref<128xi32, #tpu.memory_space<vmem>>
        %dma_wait3A_130 = arith.constant 0 : i32
        %dma_wait3A_131 = tpu.memref_slice %arg9[%dma_wait3A_130] : memref<10240xf32, #tpu.memory_space<vmem_shared>> -> memref<10240xf32, #tpu.memory_space<vmem_shared>>
        tpu.wait_indirect_dma semaphore(%run_scoped3A_121 : memref<!tpu.dma_semaphore, #tpu.memory_space<semaphore_mem>>) src(%arg14 : memref<128xf32, #tpu.memory_space<vmem>>) dst(%dma_wait3A_131 : memref<10240xf32, #tpu.memory_space<vmem_shared>>)
        tpu.yield
      }) : () -> ()
      %add3A_113 = arith.constant 2 : i32
      %add3A_114 = arith.addi %add3A_106, %add3A_113 : i32
      %lt3A_115 = arith.constant 40 : i32
      %lt3A_116 = arith.cmpi slt, %add3A_114, %lt3A_115 : i32
      %convert_element_type3A_117 = arith.extui %lt3A_116 : i1 to i32
      %cond3A_118 = arith.constant 0 : i32
      %cond3A_119 = arith.cmpi ne, %convert_element_type3A_117, %cond3A_118 : i32
      scf.if %cond3A_119 {
        %add3A_121 = arith.constant 2 : i32
        %add3A_122 = arith.addi %add3A_106, %add3A_121 : i32
        %dma_start3A_123 = arith.constant 0 : i32
        %dma_start3A_124 = tpu.memref_slice %arg10[%add3A_122, %dma_start3A_123] : memref<40x128xi32, #tpu.memory_space<vmem>> -> memref<1x128xi32, #tpu.memory_space<vmem>>
        %dma_start3A_125 = tpu.memref_squeeze %dma_start3A_124 : memref<1x128xi32, #tpu.memory_space<vmem>> -> memref<128xi32, #tpu.memory_space<vmem>>
        %dma_start3A_126 = arith.constant 0 : i32
        %dma_start3A_127 = arith.constant 0 : i32
        %dma_start3A_128 = tpu.memref_slice %arg2[%dma_start3A_126, %dma_start3A_127] : memref<10000x128xf32, #tpu.memory_space<hbm>> -> memref<10000x128xf32, #tpu.memory_space<hbm>>
        tpu.enqueue_indirect_dma source(%dma_start3A_128 : memref<10000x128xf32, #tpu.memory_space<hbm>>) target(%arg13 : memref<128x128xf32, #tpu.memory_space<vmem>>) offsets(%dma_start3A_125 : memref<128xi32, #tpu.memory_space<vmem>>) semaphore(%arg16 : memref<!tpu.dma_semaphore, #tpu.memory_space<semaphore_mem>>)
      } else {
      }
      %scan3A_120 = arith.constant 0 : i32
      scf.yield %scan3A_120 : i32
    }
    %scan3A_83 = arith.constant 20 : i32
    %barrier3A_84 = arith.constant 0 : index
    tpu.barrier barrier_id(%barrier3A_84)
    %mul3A_85 = arith.constant 10240 : i32
    %mul3A_86 = arith.muli %arg0, %mul3A_85 : i32
    %add3A_87 = arith.addi %mul3A_86, %mul3A_2 : i32
    "tpu.region"() ({
      %run_scoped3A_88 = tpu.sem_alloc : memref<!tpu.dma_semaphore, #tpu.memory_space<semaphore_mem>>
      %dma_start3A_89 = arith.constant 0 : i32
      %dma_start3A_90 = tpu.memref_slice %arg6[%add3A_87, %dma_start3A_89] : memref<20480x128xf32, #tpu.memory_space<hbm>> -> memref<640x128xf32, #tpu.memory_space<hbm>>
      %dma_start3A_91 = arith.constant 0 : i32
      %dma_start3A_92 = tpu.memref_slice %arg8[%mul3A_2, %dma_start3A_91] : memref<10240x128xf32, #tpu.memory_space<vmem_shared>> -> memref<640x128xf32, #tpu.memory_space<vmem_shared>>
      tpu.enqueue_dma source(%dma_start3A_92 : memref<640x128xf32, #tpu.memory_space<vmem_shared>>) target(%dma_start3A_90 : memref<640x128xf32, #tpu.memory_space<hbm>>) target_semaphore(%run_scoped3A_88 : memref<!tpu.dma_semaphore, #tpu.memory_space<semaphore_mem>>)
      %dma_wait3A = arith.constant 0 : i32
      %dma_wait3A_93 = tpu.memref_slice %arg6[%add3A_87, %dma_wait3A] : memref<20480x128xf32, #tpu.memory_space<hbm>> -> memref<640x128xf32, #tpu.memory_space<hbm>>
      %dma_wait3A_94 = arith.constant 0 : i32
      %dma_wait3A_95 = tpu.memref_slice %arg8[%mul3A_2, %dma_wait3A_94] : memref<10240x128xf32, #tpu.memory_space<vmem_shared>> -> memref<640x128xf32, #tpu.memory_space<vmem_shared>>
      tpu.wait_dma2 semaphore(%run_scoped3A_88 : memref<!tpu.dma_semaphore, #tpu.memory_space<semaphore_mem>>) src(%dma_wait3A_95 : memref<640x128xf32, #tpu.memory_space<vmem_shared>>) dst(%dma_wait3A_93 : memref<640x128xf32, #tpu.memory_space<hbm>>)
      tpu.yield
    }) : () -> ()
    "tpu.region"() ({
      %run_scoped3A_88 = tpu.sem_alloc : memref<!tpu.dma_semaphore, #tpu.memory_space<semaphore_mem>>
      %dma_start3A_89 = tpu.memref_slice %arg7[%add3A_87] : memref<20480xf32, #tpu.memory_space<hbm>> -> memref<640xf32, #tpu.memory_space<hbm>>
      %dma_start3A_90 = tpu.memref_slice %arg9[%mul3A_2] : memref<10240xf32, #tpu.memory_space<vmem_shared>> -> memref<640xf32, #tpu.memory_space<vmem_shared>>
      tpu.enqueue_dma source(%dma_start3A_90 : memref<640xf32, #tpu.memory_space<vmem_shared>>) target(%dma_start3A_89 : memref<640xf32, #tpu.memory_space<hbm>>) target_semaphore(%run_scoped3A_88 : memref<!tpu.dma_semaphore, #tpu.memory_space<semaphore_mem>>)
      %dma_wait3A = tpu.memref_slice %arg7[%add3A_87] : memref<20480xf32, #tpu.memory_space<hbm>> -> memref<640xf32, #tpu.memory_space<hbm>>
      %dma_wait3A_91 = tpu.memref_slice %arg9[%mul3A_2] : memref<10240xf32, #tpu.memory_space<vmem_shared>> -> memref<640xf32, #tpu.memory_space<vmem_shared>>
      tpu.wait_dma2 semaphore(%run_scoped3A_88 : memref<!tpu.dma_semaphore, #tpu.memory_space<semaphore_mem>>) src(%dma_wait3A_91 : memref<640xf32, #tpu.memory_space<vmem_shared>>) dst(%dma_wait3A : memref<640xf32, #tpu.memory_space<hbm>>)
      tpu.yield
    }) : () -> ()
    return
  }
}

#map = affine_map<(d0, d1) -> (0, 0)>
module attributes {stable_mosaic.version = 14 : i64} {
  func.func @sc_agg(%arg0: i32, %arg1: i32, %arg2: memref<10240x128xf32, #tpu.memory_space<hbm>>, %arg3: memref<2560x128xi32, #tpu.memory_space<hbm>>, %arg4: memref<2560x128xi32, #tpu.memory_space<hbm>>, %arg5: memref<20480x128xf32, #tpu.memory_space<hbm>>, %arg6: memref<10240x128xf32, #tpu.memory_space<vmem_shared>>, %arg7: memref<40x128xi32, #tpu.memory_space<vmem>>, %arg8: memref<40x128xi32, #tpu.memory_space<vmem>>, %arg9: memref<128x128xf32, #tpu.memory_space<vmem>>, %arg10: memref<128x128xf32, #tpu.memory_space<vmem>>, %arg11: memref<!tpu.dma_semaphore, #tpu.memory_space<semaphore_mem>>, %arg12: memref<!tpu.dma_semaphore, #tpu.memory_space<semaphore_mem>>) attributes {dimension_semantics = [#tpu.dimension_semantics<core_parallel>, #tpu.dimension_semantics<subcore_parallel>], iteration_bounds = array<i64: 2, 16>, scalar_prefetch = 0 : i64, scratch_operands = 7 : i64, tpu.core_type = #tpu.core_type<sc_vector_subcore>, window_params = [{transform_indices = #map}, {transform_indices = #map}, {transform_indices = #map}, {transform_indices = #map}]} {
    %mul3A = arith.constant 2 : i32
    %mul3A_0 = arith.muli %arg1, %mul3A : i32
    %add3A = arith.addi %mul3A_0, %arg0 : i32
    %mul3A_1 = arith.constant 640 : i32
    %mul3A_2 = arith.muli %arg1, %mul3A_1 : i32
    %mul3A_3 = arith.constant 80 : i32
    %mul3A_4 = arith.muli %add3A, %mul3A_3 : i32
    %multiple_of3A = tpu.assume_multiple %mul3A_4, 8 : i32
    %scan3A = arith.constant 0 : i32
    %scan3A_5 = arith.constant 0 : i32
    %scan3A_6 = arith.constant 128 : i32
    %scan3A_7 = arith.addi %scan3A_5, %scan3A_6 : i32
    %scan3A_8 = arith.constant 1 : i32
    %scan3A_9 = scf.for %scan3A_74 = %scan3A_5 to %scan3A_7 step %scan3A_8 iter_args(%scan3A_75 = %scan3A) -> (i32)  : i32 {
      %broadcast_in_dim3A = arith.constant 0.000000e+00 : f32
      %broadcast_in_dim3A_76 = vector.broadcast %broadcast_in_dim3A : f32 to vector<16xf32>
      %swap3A = arith.index_cast %scan3A_74 : i32 to index
      %swap3A_77 = arith.constant 0 : index
      %swap3A_78 = tpu.vector_load %arg9[%swap3A, %swap3A_77] {strides = array<i32>} : memref<128x128xf32, #tpu.memory_space<vmem>>, vector<1x16xf32>,
      %swap3A_79 = vector.shape_cast %swap3A_78 : vector<1x16xf32> to vector<16xf32>
      %swap3A_80 = vector.shape_cast %broadcast_in_dim3A_76 : vector<16xf32> to vector<1x16xf32>
      tpu.vector_store %arg9[%swap3A, %swap3A_77], %swap3A_80 {strides = array<i32>} : memref<128x128xf32, #tpu.memory_space<vmem>>, vector<1x16xf32>,
      %broadcast_in_dim3A_81 = arith.constant 0.000000e+00 : f32
      %broadcast_in_dim3A_82 = vector.broadcast %broadcast_in_dim3A_81 : f32 to vector<16xf32>
      %swap3A_83 = arith.index_cast %scan3A_74 : i32 to index
      %swap3A_84 = arith.constant 16 : index
      %swap3A_85 = tpu.vector_load %arg9[%swap3A_83, %swap3A_84] {strides = array<i32>} : memref<128x128xf32, #tpu.memory_space<vmem>>, vector<1x16xf32>,
      %swap3A_86 = vector.shape_cast %swap3A_85 : vector<1x16xf32> to vector<16xf32>
      %swap3A_87 = vector.shape_cast %broadcast_in_dim3A_82 : vector<16xf32> to vector<1x16xf32>
      tpu.vector_store %arg9[%swap3A_83, %swap3A_84], %swap3A_87 {strides = array<i32>} : memref<128x128xf32, #tpu.memory_space<vmem>>, vector<1x16xf32>,
      %broadcast_in_dim3A_88 = arith.constant 0.000000e+00 : f32
      %broadcast_in_dim3A_89 = vector.broadcast %broadcast_in_dim3A_88 : f32 to vector<16xf32>
      %swap3A_90 = arith.index_cast %scan3A_74 : i32 to index
      %swap3A_91 = arith.constant 32 : index
      %swap3A_92 = tpu.vector_load %arg9[%swap3A_90, %swap3A_91] {strides = array<i32>} : memref<128x128xf32, #tpu.memory_space<vmem>>, vector<1x16xf32>,
      %swap3A_93 = vector.shape_cast %swap3A_92 : vector<1x16xf32> to vector<16xf32>
      %swap3A_94 = vector.shape_cast %broadcast_in_dim3A_89 : vector<16xf32> to vector<1x16xf32>
      tpu.vector_store %arg9[%swap3A_90, %swap3A_91], %swap3A_94 {strides = array<i32>} : memref<128x128xf32, #tpu.memory_space<vmem>>, vector<1x16xf32>,
      %broadcast_in_dim3A_95 = arith.constant 0.000000e+00 : f32
      %broadcast_in_dim3A_96 = vector.broadcast %broadcast_in_dim3A_95 : f32 to vector<16xf32>
      %swap3A_97 = arith.index_cast %scan3A_74 : i32 to index
      %swap3A_98 = arith.constant 48 : index
      %swap3A_99 = tpu.vector_load %arg9[%swap3A_97, %swap3A_98] {strides = array<i32>} : memref<128x128xf32, #tpu.memory_space<vmem>>, vector<1x16xf32>,
      %swap3A_100 = vector.shape_cast %swap3A_99 : vector<1x16xf32> to vector<16xf32>
      %swap3A_101 = vector.shape_cast %broadcast_in_dim3A_96 : vector<16xf32> to vector<1x16xf32>
      tpu.vector_store %arg9[%swap3A_97, %swap3A_98], %swap3A_101 {strides = array<i32>} : memref<128x128xf32, #tpu.memory_space<vmem>>, vector<1x16xf32>,
      %broadcast_in_dim3A_102 = arith.constant 0.000000e+00 : f32
      %broadcast_in_dim3A_103 = vector.broadcast %broadcast_in_dim3A_102 : f32 to vector<16xf32>
      %swap3A_104 = arith.index_cast %scan3A_74 : i32 to index
      %swap3A_105 = arith.constant 64 : index
      %swap3A_106 = tpu.vector_load %arg9[%swap3A_104, %swap3A_105] {strides = array<i32>} : memref<128x128xf32, #tpu.memory_space<vmem>>, vector<1x16xf32>,
      %swap3A_107 = vector.shape_cast %swap3A_106 : vector<1x16xf32> to vector<16xf32>
      %swap3A_108 = vector.shape_cast %broadcast_in_dim3A_103 : vector<16xf32> to vector<1x16xf32>
      tpu.vector_store %arg9[%swap3A_104, %swap3A_105], %swap3A_108 {strides = array<i32>} : memref<128x128xf32, #tpu.memory_space<vmem>>, vector<1x16xf32>,
      %broadcast_in_dim3A_109 = arith.constant 0.000000e+00 : f32
      %broadcast_in_dim3A_110 = vector.broadcast %broadcast_in_dim3A_109 : f32 to vector<16xf32>
      %swap3A_111 = arith.index_cast %scan3A_74 : i32 to index
      %swap3A_112 = arith.constant 80 : index
      %swap3A_113 = tpu.vector_load %arg9[%swap3A_111, %swap3A_112] {strides = array<i32>} : memref<128x128xf32, #tpu.memory_space<vmem>>, vector<1x16xf32>,
      %swap3A_114 = vector.shape_cast %swap3A_113 : vector<1x16xf32> to vector<16xf32>
      %swap3A_115 = vector.shape_cast %broadcast_in_dim3A_110 : vector<16xf32> to vector<1x16xf32>
      tpu.vector_store %arg9[%swap3A_111, %swap3A_112], %swap3A_115 {strides = array<i32>} : memref<128x128xf32, #tpu.memory_space<vmem>>, vector<1x16xf32>,
      %broadcast_in_dim3A_116 = arith.constant 0.000000e+00 : f32
      %broadcast_in_dim3A_117 = vector.broadcast %broadcast_in_dim3A_116 : f32 to vector<16xf32>
      %swap3A_118 = arith.index_cast %scan3A_74 : i32 to index
      %swap3A_119 = arith.constant 96 : index
      %swap3A_120 = tpu.vector_load %arg9[%swap3A_118, %swap3A_119] {strides = array<i32>} : memref<128x128xf32, #tpu.memory_space<vmem>>, vector<1x16xf32>,
      %swap3A_121 = vector.shape_cast %swap3A_120 : vector<1x16xf32> to vector<16xf32>
      %swap3A_122 = vector.shape_cast %broadcast_in_dim3A_117 : vector<16xf32> to vector<1x16xf32>
      tpu.vector_store %arg9[%swap3A_118, %swap3A_119], %swap3A_122 {strides = array<i32>} : memref<128x128xf32, #tpu.memory_space<vmem>>, vector<1x16xf32>,
      %broadcast_in_dim3A_123 = arith.constant 0.000000e+00 : f32
      %broadcast_in_dim3A_124 = vector.broadcast %broadcast_in_dim3A_123 : f32 to vector<16xf32>
      %swap3A_125 = arith.index_cast %scan3A_74 : i32 to index
      %swap3A_126 = arith.constant 112 : index
      %swap3A_127 = tpu.vector_load %arg9[%swap3A_125, %swap3A_126] {strides = array<i32>} : memref<128x128xf32, #tpu.memory_space<vmem>>, vector<1x16xf32>,
      %swap3A_128 = vector.shape_cast %swap3A_127 : vector<1x16xf32> to vector<16xf32>
      %swap3A_129 = vector.shape_cast %broadcast_in_dim3A_124 : vector<16xf32> to vector<1x16xf32>
      tpu.vector_store %arg9[%swap3A_125, %swap3A_126], %swap3A_129 {strides = array<i32>} : memref<128x128xf32, #tpu.memory_space<vmem>>, vector<1x16xf32>,
      %scan3A_130 = arith.constant 0 : i32
      scf.yield %scan3A_130 : i32
    }
    %scan3A_10 = arith.constant 128 : i32
    %add3A_11 = arith.constant 0 : i32
    %add3A_12 = arith.addi %mul3A_2, %add3A_11 : i32
    "tpu.region"() ({
      %run_scoped3A = tpu.sem_alloc : memref<!tpu.dma_semaphore, #tpu.memory_space<semaphore_mem>>
      %dma_start3A_74 = arith.constant 0 : i32
      %dma_start3A_75 = tpu.memref_slice %arg6[%add3A_12, %dma_start3A_74] : memref<10240x128xf32, #tpu.memory_space<vmem_shared>> -> memref<128x128xf32, #tpu.memory_space<vmem_shared>>
      %dma_start3A_76 = arith.constant 0 : i32
      %dma_start3A_77 = tpu.memref_slice %arg6[%add3A_12, %dma_start3A_76] : memref<10240x128xf32, #tpu.memory_space<vmem_shared>> -> memref<128x128xf32, #tpu.memory_space<vmem_shared>>
      tpu.enqueue_dma source(%arg9 : memref<128x128xf32, #tpu.memory_space<vmem>>) target(%dma_start3A_77 : memref<128x128xf32, #tpu.memory_space<vmem_shared>>) target_semaphore(%run_scoped3A : memref<!tpu.dma_semaphore, #tpu.memory_space<semaphore_mem>>)
      %dma_wait3A = arith.constant 0 : i32
      %dma_wait3A_78 = tpu.memref_slice %arg6[%add3A_12, %dma_wait3A] : memref<10240x128xf32, #tpu.memory_space<vmem_shared>> -> memref<128x128xf32, #tpu.memory_space<vmem_shared>>
      %dma_wait3A_79 = arith.constant 0 : i32
      %dma_wait3A_80 = tpu.memref_slice %arg6[%add3A_12, %dma_wait3A_79] : memref<10240x128xf32, #tpu.memory_space<vmem_shared>> -> memref<128x128xf32, #tpu.memory_space<vmem_shared>>
      tpu.wait_dma2 semaphore(%run_scoped3A : memref<!tpu.dma_semaphore, #tpu.memory_space<semaphore_mem>>) src(%arg9 : memref<128x128xf32, #tpu.memory_space<vmem>>) dst(%dma_wait3A_80 : memref<128x128xf32, #tpu.memory_space<vmem_shared>>)
      tpu.yield
    }) : () -> ()
    %add3A_13 = arith.constant 128 : i32
    %add3A_14 = arith.addi %mul3A_2, %add3A_13 : i32
    "tpu.region"() ({
      %run_scoped3A = tpu.sem_alloc : memref<!tpu.dma_semaphore, #tpu.memory_space<semaphore_mem>>
      %dma_start3A_74 = arith.constant 0 : i32
      %dma_start3A_75 = tpu.memref_slice %arg6[%add3A_14, %dma_start3A_74] : memref<10240x128xf32, #tpu.memory_space<vmem_shared>> -> memref<128x128xf32, #tpu.memory_space<vmem_shared>>
      %dma_start3A_76 = arith.constant 0 : i32
      %dma_start3A_77 = tpu.memref_slice %arg6[%add3A_14, %dma_start3A_76] : memref<10240x128xf32, #tpu.memory_space<vmem_shared>> -> memref<128x128xf32, #tpu.memory_space<vmem_shared>>
      tpu.enqueue_dma source(%arg9 : memref<128x128xf32, #tpu.memory_space<vmem>>) target(%dma_start3A_77 : memref<128x128xf32, #tpu.memory_space<vmem_shared>>) target_semaphore(%run_scoped3A : memref<!tpu.dma_semaphore, #tpu.memory_space<semaphore_mem>>)
      %dma_wait3A = arith.constant 0 : i32
      %dma_wait3A_78 = tpu.memref_slice %arg6[%add3A_14, %dma_wait3A] : memref<10240x128xf32, #tpu.memory_space<vmem_shared>> -> memref<128x128xf32, #tpu.memory_space<vmem_shared>>
      %dma_wait3A_79 = arith.constant 0 : i32
      %dma_wait3A_80 = tpu.memref_slice %arg6[%add3A_14, %dma_wait3A_79] : memref<10240x128xf32, #tpu.memory_space<vmem_shared>> -> memref<128x128xf32, #tpu.memory_space<vmem_shared>>
      tpu.wait_dma2 semaphore(%run_scoped3A : memref<!tpu.dma_semaphore, #tpu.memory_space<semaphore_mem>>) src(%arg9 : memref<128x128xf32, #tpu.memory_space<vmem>>) dst(%dma_wait3A_80 : memref<128x128xf32, #tpu.memory_space<vmem_shared>>)
      tpu.yield
    }) : () -> ()
    %add3A_15 = arith.constant 256 : i32
    %add3A_16 = arith.addi %mul3A_2, %add3A_15 : i32
    "tpu.region"() ({
      %run_scoped3A = tpu.sem_alloc : memref<!tpu.dma_semaphore, #tpu.memory_space<semaphore_mem>>
      %dma_start3A_74 = arith.constant 0 : i32
      %dma_start3A_75 = tpu.memref_slice %arg6[%add3A_16, %dma_start3A_74] : memref<10240x128xf32, #tpu.memory_space<vmem_shared>> -> memref<128x128xf32, #tpu.memory_space<vmem_shared>>
      %dma_start3A_76 = arith.constant 0 : i32
      %dma_start3A_77 = tpu.memref_slice %arg6[%add3A_16, %dma_start3A_76] : memref<10240x128xf32, #tpu.memory_space<vmem_shared>> -> memref<128x128xf32, #tpu.memory_space<vmem_shared>>
      tpu.enqueue_dma source(%arg9 : memref<128x128xf32, #tpu.memory_space<vmem>>) target(%dma_start3A_77 : memref<128x128xf32, #tpu.memory_space<vmem_shared>>) target_semaphore(%run_scoped3A : memref<!tpu.dma_semaphore, #tpu.memory_space<semaphore_mem>>)
      %dma_wait3A = arith.constant 0 : i32
      %dma_wait3A_78 = tpu.memref_slice %arg6[%add3A_16, %dma_wait3A] : memref<10240x128xf32, #tpu.memory_space<vmem_shared>> -> memref<128x128xf32, #tpu.memory_space<vmem_shared>>
      %dma_wait3A_79 = arith.constant 0 : i32
      %dma_wait3A_80 = tpu.memref_slice %arg6[%add3A_16, %dma_wait3A_79] : memref<10240x128xf32, #tpu.memory_space<vmem_shared>> -> memref<128x128xf32, #tpu.memory_space<vmem_shared>>
      tpu.wait_dma2 semaphore(%run_scoped3A : memref<!tpu.dma_semaphore, #tpu.memory_space<semaphore_mem>>) src(%arg9 : memref<128x128xf32, #tpu.memory_space<vmem>>) dst(%dma_wait3A_80 : memref<128x128xf32, #tpu.memory_space<vmem_shared>>)
      tpu.yield
    }) : () -> ()
    %add3A_17 = arith.constant 384 : i32
    %add3A_18 = arith.addi %mul3A_2, %add3A_17 : i32
    "tpu.region"() ({
      %run_scoped3A = tpu.sem_alloc : memref<!tpu.dma_semaphore, #tpu.memory_space<semaphore_mem>>
      %dma_start3A_74 = arith.constant 0 : i32
      %dma_start3A_75 = tpu.memref_slice %arg6[%add3A_18, %dma_start3A_74] : memref<10240x128xf32, #tpu.memory_space<vmem_shared>> -> memref<128x128xf32, #tpu.memory_space<vmem_shared>>
      %dma_start3A_76 = arith.constant 0 : i32
      %dma_start3A_77 = tpu.memref_slice %arg6[%add3A_18, %dma_start3A_76] : memref<10240x128xf32, #tpu.memory_space<vmem_shared>> -> memref<128x128xf32, #tpu.memory_space<vmem_shared>>
      tpu.enqueue_dma source(%arg9 : memref<128x128xf32, #tpu.memory_space<vmem>>) target(%dma_start3A_77 : memref<128x128xf32, #tpu.memory_space<vmem_shared>>) target_semaphore(%run_scoped3A : memref<!tpu.dma_semaphore, #tpu.memory_space<semaphore_mem>>)
      %dma_wait3A = arith.constant 0 : i32
      %dma_wait3A_78 = tpu.memref_slice %arg6[%add3A_18, %dma_wait3A] : memref<10240x128xf32, #tpu.memory_space<vmem_shared>> -> memref<128x128xf32, #tpu.memory_space<vmem_shared>>
      %dma_wait3A_79 = arith.constant 0 : i32
      %dma_wait3A_80 = tpu.memref_slice %arg6[%add3A_18, %dma_wait3A_79] : memref<10240x128xf32, #tpu.memory_space<vmem_shared>> -> memref<128x128xf32, #tpu.memory_space<vmem_shared>>
      tpu.wait_dma2 semaphore(%run_scoped3A : memref<!tpu.dma_semaphore, #tpu.memory_space<semaphore_mem>>) src(%arg9 : memref<128x128xf32, #tpu.memory_space<vmem>>) dst(%dma_wait3A_80 : memref<128x128xf32, #tpu.memory_space<vmem_shared>>)
      tpu.yield
    }) : () -> ()
    %add3A_19 = arith.constant 512 : i32
    %add3A_20 = arith.addi %mul3A_2, %add3A_19 : i32
    "tpu.region"() ({
      %run_scoped3A = tpu.sem_alloc : memref<!tpu.dma_semaphore, #tpu.memory_space<semaphore_mem>>
      %dma_start3A_74 = arith.constant 0 : i32
      %dma_start3A_75 = tpu.memref_slice %arg6[%add3A_20, %dma_start3A_74] : memref<10240x128xf32, #tpu.memory_space<vmem_shared>> -> memref<128x128xf32, #tpu.memory_space<vmem_shared>>
      %dma_start3A_76 = arith.constant 0 : i32
      %dma_start3A_77 = tpu.memref_slice %arg6[%add3A_20, %dma_start3A_76] : memref<10240x128xf32, #tpu.memory_space<vmem_shared>> -> memref<128x128xf32, #tpu.memory_space<vmem_shared>>
      tpu.enqueue_dma source(%arg9 : memref<128x128xf32, #tpu.memory_space<vmem>>) target(%dma_start3A_77 : memref<128x128xf32, #tpu.memory_space<vmem_shared>>) target_semaphore(%run_scoped3A : memref<!tpu.dma_semaphore, #tpu.memory_space<semaphore_mem>>)
      %dma_wait3A = arith.constant 0 : i32
      %dma_wait3A_78 = tpu.memref_slice %arg6[%add3A_20, %dma_wait3A] : memref<10240x128xf32, #tpu.memory_space<vmem_shared>> -> memref<128x128xf32, #tpu.memory_space<vmem_shared>>
      %dma_wait3A_79 = arith.constant 0 : i32
      %dma_wait3A_80 = tpu.memref_slice %arg6[%add3A_20, %dma_wait3A_79] : memref<10240x128xf32, #tpu.memory_space<vmem_shared>> -> memref<128x128xf32, #tpu.memory_space<vmem_shared>>
      tpu.wait_dma2 semaphore(%run_scoped3A : memref<!tpu.dma_semaphore, #tpu.memory_space<semaphore_mem>>) src(%arg9 : memref<128x128xf32, #tpu.memory_space<vmem>>) dst(%dma_wait3A_80 : memref<128x128xf32, #tpu.memory_space<vmem_shared>>)
      tpu.yield
    }) : () -> ()
    %barrier3A = arith.constant 0 : index
    tpu.barrier barrier_id(%barrier3A)
    %add3A_21 = arith.constant 0 : i32
    %add3A_22 = arith.addi %multiple_of3A, %add3A_21 : i32
    "tpu.region"() ({
      %run_scoped3A = tpu.sem_alloc : memref<!tpu.dma_semaphore, #tpu.memory_space<semaphore_mem>>
      %dma_start3A_74 = arith.constant 0 : i32
      %dma_start3A_75 = tpu.memref_slice %arg3[%add3A_22, %dma_start3A_74] : memref<2560x128xi32, #tpu.memory_space<hbm>> -> memref<40x128xi32, #tpu.memory_space<hbm>>
      %dma_start3A_76 = arith.constant 0 : i32
      %dma_start3A_77 = tpu.memref_slice %arg3[%add3A_22, %dma_start3A_76] : memref<2560x128xi32, #tpu.memory_space<hbm>> -> memref<40x128xi32, #tpu.memory_space<hbm>>
      tpu.enqueue_dma source(%dma_start3A_77 : memref<40x128xi32, #tpu.memory_space<hbm>>) target(%arg7 : memref<40x128xi32, #tpu.memory_space<vmem>>) target_semaphore(%run_scoped3A : memref<!tpu.dma_semaphore, #tpu.memory_space<semaphore_mem>>)
      %dma_wait3A = arith.constant 0 : i32
      %dma_wait3A_78 = tpu.memref_slice %arg3[%add3A_22, %dma_wait3A] : memref<2560x128xi32, #tpu.memory_space<hbm>> -> memref<40x128xi32, #tpu.memory_space<hbm>>
      %dma_wait3A_79 = arith.constant 0 : i32
      %dma_wait3A_80 = tpu.memref_slice %arg3[%add3A_22, %dma_wait3A_79] : memref<2560x128xi32, #tpu.memory_space<hbm>> -> memref<40x128xi32, #tpu.memory_space<hbm>>
      tpu.wait_dma2 semaphore(%run_scoped3A : memref<!tpu.dma_semaphore, #tpu.memory_space<semaphore_mem>>) src(%dma_wait3A_80 : memref<40x128xi32, #tpu.memory_space<hbm>>) dst(%arg7 : memref<40x128xi32, #tpu.memory_space<vmem>>)
      tpu.yield
    }) : () -> ()
    %add3A_23 = arith.constant 0 : i32
    %add3A_24 = arith.addi %multiple_of3A, %add3A_23 : i32
    "tpu.region"() ({
      %run_scoped3A = tpu.sem_alloc : memref<!tpu.dma_semaphore, #tpu.memory_space<semaphore_mem>>
      %dma_start3A_74 = arith.constant 0 : i32
      %dma_start3A_75 = tpu.memref_slice %arg4[%add3A_24, %dma_start3A_74] : memref<2560x128xi32, #tpu.memory_space<hbm>> -> memref<40x128xi32, #tpu.memory_space<hbm>>
      %dma_start3A_76 = arith.constant 0 : i32
      %dma_start3A_77 = tpu.memref_slice %arg4[%add3A_24, %dma_start3A_76] : memref<2560x128xi32, #tpu.memory_space<hbm>> -> memref<40x128xi32, #tpu.memory_space<hbm>>
      tpu.enqueue_dma source(%dma_start3A_77 : memref<40x128xi32, #tpu.memory_space<hbm>>) target(%arg8 : memref<40x128xi32, #tpu.memory_space<vmem>>) target_semaphore(%run_scoped3A : memref<!tpu.dma_semaphore, #tpu.memory_space<semaphore_mem>>)
      %dma_wait3A = arith.constant 0 : i32
      %dma_wait3A_78 = tpu.memref_slice %arg4[%add3A_24, %dma_wait3A] : memref<2560x128xi32, #tpu.memory_space<hbm>> -> memref<40x128xi32, #tpu.memory_space<hbm>>
      %dma_wait3A_79 = arith.constant 0 : i32
      %dma_wait3A_80 = tpu.memref_slice %arg4[%add3A_24, %dma_wait3A_79] : memref<2560x128xi32, #tpu.memory_space<hbm>> -> memref<40x128xi32, #tpu.memory_space<hbm>>
      tpu.wait_dma2 semaphore(%run_scoped3A : memref<!tpu.dma_semaphore, #tpu.memory_space<semaphore_mem>>) src(%dma_wait3A_80 : memref<40x128xi32, #tpu.memory_space<hbm>>) dst(%arg8 : memref<40x128xi32, #tpu.memory_space<vmem>>)
      tpu.yield
    }) : () -> ()
    %dma_start3A = arith.constant 0 : i32
    %dma_start3A_25 = arith.constant 0 : i32
    %dma_start3A_26 = tpu.memref_slice %arg7[%dma_start3A, %dma_start3A_25] : memref<40x128xi32, #tpu.memory_space<vmem>> -> memref<1x128xi32, #tpu.memory_space<vmem>>
    %dma_start3A_27 = tpu.memref_squeeze %dma_start3A_26 : memref<1x128xi32, #tpu.memory_space<vmem>> -> memref<128xi32, #tpu.memory_space<vmem>>
    %dma_start3A_28 = arith.constant 0 : i32
    %dma_start3A_29 = arith.constant 0 : i32
    %dma_start3A_30 = tpu.memref_slice %arg2[%dma_start3A_28, %dma_start3A_29] : memref<10240x128xf32, #tpu.memory_space<hbm>> -> memref<10240x128xf32, #tpu.memory_space<hbm>>
    tpu.enqueue_indirect_dma source(%dma_start3A_30 : memref<10240x128xf32, #tpu.memory_space<hbm>>) target(%arg9 : memref<128x128xf32, #tpu.memory_space<vmem>>) offsets(%dma_start3A_27 : memref<128xi32, #tpu.memory_space<vmem>>) semaphore(%arg11 : memref<!tpu.dma_semaphore, #tpu.memory_space<semaphore_mem>>)
    %dma_start3A_31 = arith.constant 1 : i32
    %dma_start3A_32 = arith.constant 0 : i32
    %dma_start3A_33 = tpu.memref_slice %arg7[%dma_start3A_31, %dma_start3A_32] : memref<40x128xi32, #tpu.memory_space<vmem>> -> memref<1x128xi32, #tpu.memory_space<vmem>>
    %dma_start3A_34 = tpu.memref_squeeze %dma_start3A_33 : memref<1x128xi32, #tpu.memory_space<vmem>> -> memref<128xi32, #tpu.memory_space<vmem>>
    %dma_start3A_35 = arith.constant 0 : i32
    %dma_start3A_36 = arith.constant 0 : i32
    %dma_start3A_37 = tpu.memref_slice %arg2[%dma_start3A_35, %dma_start3A_36] : memref<10240x128xf32, #tpu.memory_space<hbm>> -> memref<10240x128xf32, #tpu.memory_space<hbm>>
    tpu.enqueue_indirect_dma source(%dma_start3A_37 : memref<10240x128xf32, #tpu.memory_space<hbm>>) target(%arg10 : memref<128x128xf32, #tpu.memory_space<vmem>>) offsets(%dma_start3A_34 : memref<128xi32, #tpu.memory_space<vmem>>) semaphore(%arg12 : memref<!tpu.dma_semaphore, #tpu.memory_space<semaphore_mem>>)
    %scan3A_38 = arith.constant 0 : i32
    %scan3A_39 = arith.constant 0 : i32
    %scan3A_40 = arith.constant 20 : i32
    %scan3A_41 = arith.addi %scan3A_39, %scan3A_40 : i32
    %scan3A_42 = arith.constant 1 : i32
    %scan3A_43 = scf.for %scan3A_74 = %scan3A_39 to %scan3A_41 step %scan3A_42 iter_args(%scan3A_75 = %scan3A_38) -> (i32)  : i32 {
      %mul3A_76 = arith.constant 2 : i32
      %mul3A_77 = arith.muli %scan3A_74, %mul3A_76 : i32
      %add3A_78 = arith.constant 0 : i32
      %add3A_79 = arith.addi %mul3A_77, %add3A_78 : i32
      %dma_wait3A = arith.constant 0 : i32
      %dma_wait3A_80 = tpu.memref_slice %arg7[%add3A_79, %dma_wait3A] : memref<40x128xi32, #tpu.memory_space<vmem>> -> memref<1x128xi32, #tpu.memory_space<vmem>>
      %dma_wait3A_81 = tpu.memref_squeeze %dma_wait3A_80 : memref<1x128xi32, #tpu.memory_space<vmem>> -> memref<128xi32, #tpu.memory_space<vmem>>
      %dma_wait3A_82 = arith.constant 0 : i32
      %dma_wait3A_83 = arith.constant 0 : i32
      %dma_wait3A_84 = tpu.memref_slice %arg2[%dma_wait3A_82, %dma_wait3A_83] : memref<10240x128xf32, #tpu.memory_space<hbm>> -> memref<10240x128xf32, #tpu.memory_space<hbm>>
      tpu.wait_indirect_dma semaphore(%arg11 : memref<!tpu.dma_semaphore, #tpu.memory_space<semaphore_mem>>) src(%dma_wait3A_84 : memref<10240x128xf32, #tpu.memory_space<hbm>>) dst(%arg9 : memref<128x128xf32, #tpu.memory_space<vmem>>)
      "tpu.region"() ({
        %run_scoped3A = tpu.sem_alloc : memref<!tpu.dma_semaphore, #tpu.memory_space<semaphore_mem>>
        %dma_start3A_107 = arith.constant 0 : i32
        %dma_start3A_108 = tpu.memref_slice %arg8[%add3A_79, %dma_start3A_107] : memref<40x128xi32, #tpu.memory_space<vmem>> -> memref<1x128xi32, #tpu.memory_space<vmem>>
        %dma_start3A_109 = tpu.memref_squeeze %dma_start3A_108 : memref<1x128xi32, #tpu.memory_space<vmem>> -> memref<128xi32, #tpu.memory_space<vmem>>
        %dma_start3A_110 = arith.constant 0 : i32
        %dma_start3A_111 = arith.constant 0 : i32
        %dma_start3A_112 = tpu.memref_slice %arg6[%dma_start3A_110, %dma_start3A_111] : memref<10240x128xf32, #tpu.memory_space<vmem_shared>> -> memref<10240x128xf32, #tpu.memory_space<vmem_shared>>
        tpu.enqueue_indirect_dma source(%arg9 : memref<128x128xf32, #tpu.memory_space<vmem>>) target(%dma_start3A_112 : memref<10240x128xf32, #tpu.memory_space<vmem_shared>>) offsets(%dma_start3A_109 : memref<128xi32, #tpu.memory_space<vmem>>) semaphore(%run_scoped3A : memref<!tpu.dma_semaphore, #tpu.memory_space<semaphore_mem>>) {add = true}
        %dma_wait3A_113 = arith.constant 0 : i32
        %dma_wait3A_114 = tpu.memref_slice %arg8[%add3A_79, %dma_wait3A_113] : memref<40x128xi32, #tpu.memory_space<vmem>> -> memref<1x128xi32, #tpu.memory_space<vmem>>
        %dma_wait3A_115 = tpu.memref_squeeze %dma_wait3A_114 : memref<1x128xi32, #tpu.memory_space<vmem>> -> memref<128xi32, #tpu.memory_space<vmem>>
        %dma_wait3A_116 = arith.constant 0 : i32
        %dma_wait3A_117 = arith.constant 0 : i32
        %dma_wait3A_118 = tpu.memref_slice %arg6[%dma_wait3A_116, %dma_wait3A_117] : memref<10240x128xf32, #tpu.memory_space<vmem_shared>> -> memref<10240x128xf32, #tpu.memory_space<vmem_shared>>
        tpu.wait_indirect_dma semaphore(%run_scoped3A : memref<!tpu.dma_semaphore, #tpu.memory_space<semaphore_mem>>) src(%arg9 : memref<128x128xf32, #tpu.memory_space<vmem>>) dst(%dma_wait3A_118 : memref<10240x128xf32, #tpu.memory_space<vmem_shared>>)
        tpu.yield
      }) : () -> ()
      %add3A_85 = arith.constant 2 : i32
      %add3A_86 = arith.addi %add3A_79, %add3A_85 : i32
      %lt3A = arith.constant 40 : i32
      %lt3A_87 = arith.cmpi slt, %add3A_86, %lt3A : i32
      %convert_element_type3A = arith.extui %lt3A_87 : i1 to i32
      %cond3A = arith.constant 0 : i32
      %cond3A_88 = arith.cmpi ne, %convert_element_type3A, %cond3A : i32
      scf.if %cond3A_88 {
        %add3A_107 = arith.constant 2 : i32
        %add3A_108 = arith.addi %add3A_79, %add3A_107 : i32
        %dma_start3A_109 = arith.constant 0 : i32
        %dma_start3A_110 = tpu.memref_slice %arg7[%add3A_108, %dma_start3A_109] : memref<40x128xi32, #tpu.memory_space<vmem>> -> memref<1x128xi32, #tpu.memory_space<vmem>>
        %dma_start3A_111 = tpu.memref_squeeze %dma_start3A_110 : memref<1x128xi32, #tpu.memory_space<vmem>> -> memref<128xi32, #tpu.memory_space<vmem>>
        %dma_start3A_112 = arith.constant 0 : i32
        %dma_start3A_113 = arith.constant 0 : i32
        %dma_start3A_114 = tpu.memref_slice %arg2[%dma_start3A_112, %dma_start3A_113] : memref<10240x128xf32, #tpu.memory_space<hbm>> -> memref<10240x128xf32, #tpu.memory_space<hbm>>
        tpu.enqueue_indirect_dma source(%dma_start3A_114 : memref<10240x128xf32, #tpu.memory_space<hbm>>) target(%arg9 : memref<128x128xf32, #tpu.memory_space<vmem>>) offsets(%dma_start3A_111 : memref<128xi32, #tpu.memory_space<vmem>>) semaphore(%arg11 : memref<!tpu.dma_semaphore, #tpu.memory_space<semaphore_mem>>)
      } else {
      }
      %mul3A_89 = arith.constant 2 : i32
      %mul3A_90 = arith.muli %scan3A_74, %mul3A_89 : i32
      %add3A_91 = arith.constant 1 : i32
      %add3A_92 = arith.addi %mul3A_90, %add3A_91 : i32
      %dma_wait3A_93 = arith.constant 0 : i32
      %dma_wait3A_94 = tpu.memref_slice %arg7[%add3A_92, %dma_wait3A_93] : memref<40x128xi32, #tpu.memory_space<vmem>> -> memref<1x128xi32, #tpu.memory_space<vmem>>
      %dma_wait3A_95 = tpu.memref_squeeze %dma_wait3A_94 : memref<1x128xi32, #tpu.memory_space<vmem>> -> memref<128xi32, #tpu.memory_space<vmem>>
      %dma_wait3A_96 = arith.constant 0 : i32
      %dma_wait3A_97 = arith.constant 0 : i32
      %dma_wait3A_98 = tpu.memref_slice %arg2[%dma_wait3A_96, %dma_wait3A_97] : memref<10240x128xf32, #tpu.memory_space<hbm>> -> memref<10240x128xf32, #tpu.memory_space<hbm>>
      tpu.wait_indirect_dma semaphore(%arg12 : memref<!tpu.dma_semaphore, #tpu.memory_space<semaphore_mem>>) src(%dma_wait3A_98 : memref<10240x128xf32, #tpu.memory_space<hbm>>) dst(%arg10 : memref<128x128xf32, #tpu.memory_space<vmem>>)
      "tpu.region"() ({
        %run_scoped3A = tpu.sem_alloc : memref<!tpu.dma_semaphore, #tpu.memory_space<semaphore_mem>>
        %dma_start3A_107 = arith.constant 0 : i32
        %dma_start3A_108 = tpu.memref_slice %arg8[%add3A_92, %dma_start3A_107] : memref<40x128xi32, #tpu.memory_space<vmem>> -> memref<1x128xi32, #tpu.memory_space<vmem>>
        %dma_start3A_109 = tpu.memref_squeeze %dma_start3A_108 : memref<1x128xi32, #tpu.memory_space<vmem>> -> memref<128xi32, #tpu.memory_space<vmem>>
        %dma_start3A_110 = arith.constant 0 : i32
        %dma_start3A_111 = arith.constant 0 : i32
        %dma_start3A_112 = tpu.memref_slice %arg6[%dma_start3A_110, %dma_start3A_111] : memref<10240x128xf32, #tpu.memory_space<vmem_shared>> -> memref<10240x128xf32, #tpu.memory_space<vmem_shared>>
        tpu.enqueue_indirect_dma source(%arg10 : memref<128x128xf32, #tpu.memory_space<vmem>>) target(%dma_start3A_112 : memref<10240x128xf32, #tpu.memory_space<vmem_shared>>) offsets(%dma_start3A_109 : memref<128xi32, #tpu.memory_space<vmem>>) semaphore(%run_scoped3A : memref<!tpu.dma_semaphore, #tpu.memory_space<semaphore_mem>>) {add = true}
        %dma_wait3A_113 = arith.constant 0 : i32
        %dma_wait3A_114 = tpu.memref_slice %arg8[%add3A_92, %dma_wait3A_113] : memref<40x128xi32, #tpu.memory_space<vmem>> -> memref<1x128xi32, #tpu.memory_space<vmem>>
        %dma_wait3A_115 = tpu.memref_squeeze %dma_wait3A_114 : memref<1x128xi32, #tpu.memory_space<vmem>> -> memref<128xi32, #tpu.memory_space<vmem>>
        %dma_wait3A_116 = arith.constant 0 : i32
        %dma_wait3A_117 = arith.constant 0 : i32
        %dma_wait3A_118 = tpu.memref_slice %arg6[%dma_wait3A_116, %dma_wait3A_117] : memref<10240x128xf32, #tpu.memory_space<vmem_shared>> -> memref<10240x128xf32, #tpu.memory_space<vmem_shared>>
        tpu.wait_indirect_dma semaphore(%run_scoped3A : memref<!tpu.dma_semaphore, #tpu.memory_space<semaphore_mem>>) src(%arg10 : memref<128x128xf32, #tpu.memory_space<vmem>>) dst(%dma_wait3A_118 : memref<10240x128xf32, #tpu.memory_space<vmem_shared>>)
        tpu.yield
      }) : () -> ()
      %add3A_99 = arith.constant 2 : i32
      %add3A_100 = arith.addi %add3A_92, %add3A_99 : i32
      %lt3A_101 = arith.constant 40 : i32
      %lt3A_102 = arith.cmpi slt, %add3A_100, %lt3A_101 : i32
      %convert_element_type3A_103 = arith.extui %lt3A_102 : i1 to i32
      %cond3A_104 = arith.constant 0 : i32
      %cond3A_105 = arith.cmpi ne, %convert_element_type3A_103, %cond3A_104 : i32
      scf.if %cond3A_105 {
        %add3A_107 = arith.constant 2 : i32
        %add3A_108 = arith.addi %add3A_92, %add3A_107 : i32
        %dma_start3A_109 = arith.constant 0 : i32
        %dma_start3A_110 = tpu.memref_slice %arg7[%add3A_108, %dma_start3A_109] : memref<40x128xi32, #tpu.memory_space<vmem>> -> memref<1x128xi32, #tpu.memory_space<vmem>>
        %dma_start3A_111 = tpu.memref_squeeze %dma_start3A_110 : memref<1x128xi32, #tpu.memory_space<vmem>> -> memref<128xi32, #tpu.memory_space<vmem>>
        %dma_start3A_112 = arith.constant 0 : i32
        %dma_start3A_113 = arith.constant 0 : i32
        %dma_start3A_114 = tpu.memref_slice %arg2[%dma_start3A_112, %dma_start3A_113] : memref<10240x128xf32, #tpu.memory_space<hbm>> -> memref<10240x128xf32, #tpu.memory_space<hbm>>
        tpu.enqueue_indirect_dma source(%dma_start3A_114 : memref<10240x128xf32, #tpu.memory_space<hbm>>) target(%arg10 : memref<128x128xf32, #tpu.memory_space<vmem>>) offsets(%dma_start3A_111 : memref<128xi32, #tpu.memory_space<vmem>>) semaphore(%arg12 : memref<!tpu.dma_semaphore, #tpu.memory_space<semaphore_mem>>)
      } else {
      }
      %scan3A_106 = arith.constant 0 : i32
      scf.yield %scan3A_106 : i32
    }
    %scan3A_44 = arith.constant 20 : i32
    %add3A_45 = arith.constant 40 : i32
    %add3A_46 = arith.addi %multiple_of3A, %add3A_45 : i32
    "tpu.region"() ({
      %run_scoped3A = tpu.sem_alloc : memref<!tpu.dma_semaphore, #tpu.memory_space<semaphore_mem>>
      %dma_start3A_74 = arith.constant 0 : i32
      %dma_start3A_75 = tpu.memref_slice %arg3[%add3A_46, %dma_start3A_74] : memref<2560x128xi32, #tpu.memory_space<hbm>> -> memref<40x128xi32, #tpu.memory_space<hbm>>
      %dma_start3A_76 = arith.constant 0 : i32
      %dma_start3A_77 = tpu.memref_slice %arg3[%add3A_46, %dma_start3A_76] : memref<2560x128xi32, #tpu.memory_space<hbm>> -> memref<40x128xi32, #tpu.memory_space<hbm>>
      tpu.enqueue_dma source(%dma_start3A_77 : memref<40x128xi32, #tpu.memory_space<hbm>>) target(%arg7 : memref<40x128xi32, #tpu.memory_space<vmem>>) target_semaphore(%run_scoped3A : memref<!tpu.dma_semaphore, #tpu.memory_space<semaphore_mem>>)
      %dma_wait3A = arith.constant 0 : i32
      %dma_wait3A_78 = tpu.memref_slice %arg3[%add3A_46, %dma_wait3A] : memref<2560x128xi32, #tpu.memory_space<hbm>> -> memref<40x128xi32, #tpu.memory_space<hbm>>
      %dma_wait3A_79 = arith.constant 0 : i32
      %dma_wait3A_80 = tpu.memref_slice %arg3[%add3A_46, %dma_wait3A_79] : memref<2560x128xi32, #tpu.memory_space<hbm>> -> memref<40x128xi32, #tpu.memory_space<hbm>>
      tpu.wait_dma2 semaphore(%run_scoped3A : memref<!tpu.dma_semaphore, #tpu.memory_space<semaphore_mem>>) src(%dma_wait3A_80 : memref<40x128xi32, #tpu.memory_space<hbm>>) dst(%arg7 : memref<40x128xi32, #tpu.memory_space<vmem>>)
      tpu.yield
    }) : () -> ()
    %add3A_47 = arith.constant 40 : i32
    %add3A_48 = arith.addi %multiple_of3A, %add3A_47 : i32
    "tpu.region"() ({
      %run_scoped3A = tpu.sem_alloc : memref<!tpu.dma_semaphore, #tpu.memory_space<semaphore_mem>>
      %dma_start3A_74 = arith.constant 0 : i32
      %dma_start3A_75 = tpu.memref_slice %arg4[%add3A_48, %dma_start3A_74] : memref<2560x128xi32, #tpu.memory_space<hbm>> -> memref<40x128xi32, #tpu.memory_space<hbm>>
      %dma_start3A_76 = arith.constant 0 : i32
      %dma_start3A_77 = tpu.memref_slice %arg4[%add3A_48, %dma_start3A_76] : memref<2560x128xi32, #tpu.memory_space<hbm>> -> memref<40x128xi32, #tpu.memory_space<hbm>>
      tpu.enqueue_dma source(%dma_start3A_77 : memref<40x128xi32, #tpu.memory_space<hbm>>) target(%arg8 : memref<40x128xi32, #tpu.memory_space<vmem>>) target_semaphore(%run_scoped3A : memref<!tpu.dma_semaphore, #tpu.memory_space<semaphore_mem>>)
      %dma_wait3A = arith.constant 0 : i32
      %dma_wait3A_78 = tpu.memref_slice %arg4[%add3A_48, %dma_wait3A] : memref<2560x128xi32, #tpu.memory_space<hbm>> -> memref<40x128xi32, #tpu.memory_space<hbm>>
      %dma_wait3A_79 = arith.constant 0 : i32
      %dma_wait3A_80 = tpu.memref_slice %arg4[%add3A_48, %dma_wait3A_79] : memref<2560x128xi32, #tpu.memory_space<hbm>> -> memref<40x128xi32, #tpu.memory_space<hbm>>
      tpu.wait_dma2 semaphore(%run_scoped3A : memref<!tpu.dma_semaphore, #tpu.memory_space<semaphore_mem>>) src(%dma_wait3A_80 : memref<40x128xi32, #tpu.memory_space<hbm>>) dst(%arg8 : memref<40x128xi32, #tpu.memory_space<vmem>>)
      tpu.yield
    }) : () -> ()
    %dma_start3A_49 = arith.constant 0 : i32
    %dma_start3A_50 = arith.constant 0 : i32
    %dma_start3A_51 = tpu.memref_slice %arg7[%dma_start3A_49, %dma_start3A_50] : memref<40x128xi32, #tpu.memory_space<vmem>> -> memref<1x128xi32, #tpu.memory_space<vmem>>
    %dma_start3A_52 = tpu.memref_squeeze %dma_start3A_51 : memref<1x128xi32, #tpu.memory_space<vmem>> -> memref<128xi32, #tpu.memory_space<vmem>>
    %dma_start3A_53 = arith.constant 0 : i32
    %dma_start3A_54 = arith.constant 0 : i32
    %dma_start3A_55 = tpu.memref_slice %arg2[%dma_start3A_53, %dma_start3A_54] : memref<10240x128xf32, #tpu.memory_space<hbm>> -> memref<10240x128xf32, #tpu.memory_space<hbm>>
    tpu.enqueue_indirect_dma source(%dma_start3A_55 : memref<10240x128xf32, #tpu.memory_space<hbm>>) target(%arg9 : memref<128x128xf32, #tpu.memory_space<vmem>>) offsets(%dma_start3A_52 : memref<128xi32, #tpu.memory_space<vmem>>) semaphore(%arg11 : memref<!tpu.dma_semaphore, #tpu.memory_space<semaphore_mem>>)
    %dma_start3A_56 = arith.constant 1 : i32
    %dma_start3A_57 = arith.constant 0 : i32
    %dma_start3A_58 = tpu.memref_slice %arg7[%dma_start3A_56, %dma_start3A_57] : memref<40x128xi32, #tpu.memory_space<vmem>> -> memref<1x128xi32, #tpu.memory_space<vmem>>
    %dma_start3A_59 = tpu.memref_squeeze %dma_start3A_58 : memref<1x128xi32, #tpu.memory_space<vmem>> -> memref<128xi32, #tpu.memory_space<vmem>>
    %dma_start3A_60 = arith.constant 0 : i32
    %dma_start3A_61 = arith.constant 0 : i32
    %dma_start3A_62 = tpu.memref_slice %arg2[%dma_start3A_60, %dma_start3A_61] : memref<10240x128xf32, #tpu.memory_space<hbm>> -> memref<10240x128xf32, #tpu.memory_space<hbm>>
    tpu.enqueue_indirect_dma source(%dma_start3A_62 : memref<10240x128xf32, #tpu.memory_space<hbm>>) target(%arg10 : memref<128x128xf32, #tpu.memory_space<vmem>>) offsets(%dma_start3A_59 : memref<128xi32, #tpu.memory_space<vmem>>) semaphore(%arg12 : memref<!tpu.dma_semaphore, #tpu.memory_space<semaphore_mem>>)
    %scan3A_63 = arith.constant 0 : i32
    %scan3A_64 = arith.constant 0 : i32
    %scan3A_65 = arith.constant 20 : i32
    %scan3A_66 = arith.addi %scan3A_64, %scan3A_65 : i32
    %scan3A_67 = arith.constant 1 : i32
    %scan3A_68 = scf.for %scan3A_74 = %scan3A_64 to %scan3A_66 step %scan3A_67 iter_args(%scan3A_75 = %scan3A_63) -> (i32)  : i32 {
      %mul3A_76 = arith.constant 2 : i32
      %mul3A_77 = arith.muli %scan3A_74, %mul3A_76 : i32
      %add3A_78 = arith.constant 0 : i32
      %add3A_79 = arith.addi %mul3A_77, %add3A_78 : i32
      %dma_wait3A = arith.constant 0 : i32
      %dma_wait3A_80 = tpu.memref_slice %arg7[%add3A_79, %dma_wait3A] : memref<40x128xi32, #tpu.memory_space<vmem>> -> memref<1x128xi32, #tpu.memory_space<vmem>>
      %dma_wait3A_81 = tpu.memref_squeeze %dma_wait3A_80 : memref<1x128xi32, #tpu.memory_space<vmem>> -> memref<128xi32, #tpu.memory_space<vmem>>
      %dma_wait3A_82 = arith.constant 0 : i32
      %dma_wait3A_83 = arith.constant 0 : i32
      %dma_wait3A_84 = tpu.memref_slice %arg2[%dma_wait3A_82, %dma_wait3A_83] : memref<10240x128xf32, #tpu.memory_space<hbm>> -> memref<10240x128xf32, #tpu.memory_space<hbm>>
      tpu.wait_indirect_dma semaphore(%arg11 : memref<!tpu.dma_semaphore, #tpu.memory_space<semaphore_mem>>) src(%dma_wait3A_84 : memref<10240x128xf32, #tpu.memory_space<hbm>>) dst(%arg9 : memref<128x128xf32, #tpu.memory_space<vmem>>)
      "tpu.region"() ({
        %run_scoped3A = tpu.sem_alloc : memref<!tpu.dma_semaphore, #tpu.memory_space<semaphore_mem>>
        %dma_start3A_107 = arith.constant 0 : i32
        %dma_start3A_108 = tpu.memref_slice %arg8[%add3A_79, %dma_start3A_107] : memref<40x128xi32, #tpu.memory_space<vmem>> -> memref<1x128xi32, #tpu.memory_space<vmem>>
        %dma_start3A_109 = tpu.memref_squeeze %dma_start3A_108 : memref<1x128xi32, #tpu.memory_space<vmem>> -> memref<128xi32, #tpu.memory_space<vmem>>
        %dma_start3A_110 = arith.constant 0 : i32
        %dma_start3A_111 = arith.constant 0 : i32
        %dma_start3A_112 = tpu.memref_slice %arg6[%dma_start3A_110, %dma_start3A_111] : memref<10240x128xf32, #tpu.memory_space<vmem_shared>> -> memref<10240x128xf32, #tpu.memory_space<vmem_shared>>
        tpu.enqueue_indirect_dma source(%arg9 : memref<128x128xf32, #tpu.memory_space<vmem>>) target(%dma_start3A_112 : memref<10240x128xf32, #tpu.memory_space<vmem_shared>>) offsets(%dma_start3A_109 : memref<128xi32, #tpu.memory_space<vmem>>) semaphore(%run_scoped3A : memref<!tpu.dma_semaphore, #tpu.memory_space<semaphore_mem>>) {add = true}
        %dma_wait3A_113 = arith.constant 0 : i32
        %dma_wait3A_114 = tpu.memref_slice %arg8[%add3A_79, %dma_wait3A_113] : memref<40x128xi32, #tpu.memory_space<vmem>> -> memref<1x128xi32, #tpu.memory_space<vmem>>
        %dma_wait3A_115 = tpu.memref_squeeze %dma_wait3A_114 : memref<1x128xi32, #tpu.memory_space<vmem>> -> memref<128xi32, #tpu.memory_space<vmem>>
        %dma_wait3A_116 = arith.constant 0 : i32
        %dma_wait3A_117 = arith.constant 0 : i32
        %dma_wait3A_118 = tpu.memref_slice %arg6[%dma_wait3A_116, %dma_wait3A_117] : memref<10240x128xf32, #tpu.memory_space<vmem_shared>> -> memref<10240x128xf32, #tpu.memory_space<vmem_shared>>
        tpu.wait_indirect_dma semaphore(%run_scoped3A : memref<!tpu.dma_semaphore, #tpu.memory_space<semaphore_mem>>) src(%arg9 : memref<128x128xf32, #tpu.memory_space<vmem>>) dst(%dma_wait3A_118 : memref<10240x128xf32, #tpu.memory_space<vmem_shared>>)
        tpu.yield
      }) : () -> ()
      %add3A_85 = arith.constant 2 : i32
      %add3A_86 = arith.addi %add3A_79, %add3A_85 : i32
      %lt3A = arith.constant 40 : i32
      %lt3A_87 = arith.cmpi slt, %add3A_86, %lt3A : i32
      %convert_element_type3A = arith.extui %lt3A_87 : i1 to i32
      %cond3A = arith.constant 0 : i32
      %cond3A_88 = arith.cmpi ne, %convert_element_type3A, %cond3A : i32
      scf.if %cond3A_88 {
        %add3A_107 = arith.constant 2 : i32
        %add3A_108 = arith.addi %add3A_79, %add3A_107 : i32
        %dma_start3A_109 = arith.constant 0 : i32
        %dma_start3A_110 = tpu.memref_slice %arg7[%add3A_108, %dma_start3A_109] : memref<40x128xi32, #tpu.memory_space<vmem>> -> memref<1x128xi32, #tpu.memory_space<vmem>>
        %dma_start3A_111 = tpu.memref_squeeze %dma_start3A_110 : memref<1x128xi32, #tpu.memory_space<vmem>> -> memref<128xi32, #tpu.memory_space<vmem>>
        %dma_start3A_112 = arith.constant 0 : i32
        %dma_start3A_113 = arith.constant 0 : i32
        %dma_start3A_114 = tpu.memref_slice %arg2[%dma_start3A_112, %dma_start3A_113] : memref<10240x128xf32, #tpu.memory_space<hbm>> -> memref<10240x128xf32, #tpu.memory_space<hbm>>
        tpu.enqueue_indirect_dma source(%dma_start3A_114 : memref<10240x128xf32, #tpu.memory_space<hbm>>) target(%arg9 : memref<128x128xf32, #tpu.memory_space<vmem>>) offsets(%dma_start3A_111 : memref<128xi32, #tpu.memory_space<vmem>>) semaphore(%arg11 : memref<!tpu.dma_semaphore, #tpu.memory_space<semaphore_mem>>)
      } else {
      }
      %mul3A_89 = arith.constant 2 : i32
      %mul3A_90 = arith.muli %scan3A_74, %mul3A_89 : i32
      %add3A_91 = arith.constant 1 : i32
      %add3A_92 = arith.addi %mul3A_90, %add3A_91 : i32
      %dma_wait3A_93 = arith.constant 0 : i32
      %dma_wait3A_94 = tpu.memref_slice %arg7[%add3A_92, %dma_wait3A_93] : memref<40x128xi32, #tpu.memory_space<vmem>> -> memref<1x128xi32, #tpu.memory_space<vmem>>
      %dma_wait3A_95 = tpu.memref_squeeze %dma_wait3A_94 : memref<1x128xi32, #tpu.memory_space<vmem>> -> memref<128xi32, #tpu.memory_space<vmem>>
      %dma_wait3A_96 = arith.constant 0 : i32
      %dma_wait3A_97 = arith.constant 0 : i32
      %dma_wait3A_98 = tpu.memref_slice %arg2[%dma_wait3A_96, %dma_wait3A_97] : memref<10240x128xf32, #tpu.memory_space<hbm>> -> memref<10240x128xf32, #tpu.memory_space<hbm>>
      tpu.wait_indirect_dma semaphore(%arg12 : memref<!tpu.dma_semaphore, #tpu.memory_space<semaphore_mem>>) src(%dma_wait3A_98 : memref<10240x128xf32, #tpu.memory_space<hbm>>) dst(%arg10 : memref<128x128xf32, #tpu.memory_space<vmem>>)
      "tpu.region"() ({
        %run_scoped3A = tpu.sem_alloc : memref<!tpu.dma_semaphore, #tpu.memory_space<semaphore_mem>>
        %dma_start3A_107 = arith.constant 0 : i32
        %dma_start3A_108 = tpu.memref_slice %arg8[%add3A_92, %dma_start3A_107] : memref<40x128xi32, #tpu.memory_space<vmem>> -> memref<1x128xi32, #tpu.memory_space<vmem>>
        %dma_start3A_109 = tpu.memref_squeeze %dma_start3A_108 : memref<1x128xi32, #tpu.memory_space<vmem>> -> memref<128xi32, #tpu.memory_space<vmem>>
        %dma_start3A_110 = arith.constant 0 : i32
        %dma_start3A_111 = arith.constant 0 : i32
        %dma_start3A_112 = tpu.memref_slice %arg6[%dma_start3A_110, %dma_start3A_111] : memref<10240x128xf32, #tpu.memory_space<vmem_shared>> -> memref<10240x128xf32, #tpu.memory_space<vmem_shared>>
        tpu.enqueue_indirect_dma source(%arg10 : memref<128x128xf32, #tpu.memory_space<vmem>>) target(%dma_start3A_112 : memref<10240x128xf32, #tpu.memory_space<vmem_shared>>) offsets(%dma_start3A_109 : memref<128xi32, #tpu.memory_space<vmem>>) semaphore(%run_scoped3A : memref<!tpu.dma_semaphore, #tpu.memory_space<semaphore_mem>>) {add = true}
        %dma_wait3A_113 = arith.constant 0 : i32
        %dma_wait3A_114 = tpu.memref_slice %arg8[%add3A_92, %dma_wait3A_113] : memref<40x128xi32, #tpu.memory_space<vmem>> -> memref<1x128xi32, #tpu.memory_space<vmem>>
        %dma_wait3A_115 = tpu.memref_squeeze %dma_wait3A_114 : memref<1x128xi32, #tpu.memory_space<vmem>> -> memref<128xi32, #tpu.memory_space<vmem>>
        %dma_wait3A_116 = arith.constant 0 : i32
        %dma_wait3A_117 = arith.constant 0 : i32
        %dma_wait3A_118 = tpu.memref_slice %arg6[%dma_wait3A_116, %dma_wait3A_117] : memref<10240x128xf32, #tpu.memory_space<vmem_shared>> -> memref<10240x128xf32, #tpu.memory_space<vmem_shared>>
        tpu.wait_indirect_dma semaphore(%run_scoped3A : memref<!tpu.dma_semaphore, #tpu.memory_space<semaphore_mem>>) src(%arg10 : memref<128x128xf32, #tpu.memory_space<vmem>>) dst(%dma_wait3A_118 : memref<10240x128xf32, #tpu.memory_space<vmem_shared>>)
        tpu.yield
      }) : () -> ()
      %add3A_99 = arith.constant 2 : i32
      %add3A_100 = arith.addi %add3A_92, %add3A_99 : i32
      %lt3A_101 = arith.constant 40 : i32
      %lt3A_102 = arith.cmpi slt, %add3A_100, %lt3A_101 : i32
      %convert_element_type3A_103 = arith.extui %lt3A_102 : i1 to i32
      %cond3A_104 = arith.constant 0 : i32
      %cond3A_105 = arith.cmpi ne, %convert_element_type3A_103, %cond3A_104 : i32
      scf.if %cond3A_105 {
        %add3A_107 = arith.constant 2 : i32
        %add3A_108 = arith.addi %add3A_92, %add3A_107 : i32
        %dma_start3A_109 = arith.constant 0 : i32
        %dma_start3A_110 = tpu.memref_slice %arg7[%add3A_108, %dma_start3A_109] : memref<40x128xi32, #tpu.memory_space<vmem>> -> memref<1x128xi32, #tpu.memory_space<vmem>>
        %dma_start3A_111 = tpu.memref_squeeze %dma_start3A_110 : memref<1x128xi32, #tpu.memory_space<vmem>> -> memref<128xi32, #tpu.memory_space<vmem>>
        %dma_start3A_112 = arith.constant 0 : i32
        %dma_start3A_113 = arith.constant 0 : i32
        %dma_start3A_114 = tpu.memref_slice %arg2[%dma_start3A_112, %dma_start3A_113] : memref<10240x128xf32, #tpu.memory_space<hbm>> -> memref<10240x128xf32, #tpu.memory_space<hbm>>
        tpu.enqueue_indirect_dma source(%dma_start3A_114 : memref<10240x128xf32, #tpu.memory_space<hbm>>) target(%arg10 : memref<128x128xf32, #tpu.memory_space<vmem>>) offsets(%dma_start3A_111 : memref<128xi32, #tpu.memory_space<vmem>>) semaphore(%arg12 : memref<!tpu.dma_semaphore, #tpu.memory_space<semaphore_mem>>)
      } else {
      }
      %scan3A_106 = arith.constant 0 : i32
      scf.yield %scan3A_106 : i32
    }
    %scan3A_69 = arith.constant 20 : i32
    %barrier3A_70 = arith.constant 0 : index
    tpu.barrier barrier_id(%barrier3A_70)
    %mul3A_71 = arith.constant 10240 : i32
    %mul3A_72 = arith.muli %arg0, %mul3A_71 : i32
    %add3A_73 = arith.addi %mul3A_72, %mul3A_2 : i32
    "tpu.region"() ({
      %run_scoped3A = tpu.sem_alloc : memref<!tpu.dma_semaphore, #tpu.memory_space<semaphore_mem>>
      %dma_start3A_74 = arith.constant 0 : i32
      %dma_start3A_75 = tpu.memref_slice %arg5[%add3A_73, %dma_start3A_74] : memref<20480x128xf32, #tpu.memory_space<hbm>> -> memref<640x128xf32, #tpu.memory_space<hbm>>
      %dma_start3A_76 = arith.constant 0 : i32
      %dma_start3A_77 = tpu.memref_slice %arg6[%mul3A_2, %dma_start3A_76] : memref<10240x128xf32, #tpu.memory_space<vmem_shared>> -> memref<640x128xf32, #tpu.memory_space<vmem_shared>>
      tpu.enqueue_dma source(%dma_start3A_77 : memref<640x128xf32, #tpu.memory_space<vmem_shared>>) target(%dma_start3A_75 : memref<640x128xf32, #tpu.memory_space<hbm>>) target_semaphore(%run_scoped3A : memref<!tpu.dma_semaphore, #tpu.memory_space<semaphore_mem>>)
      %dma_wait3A = arith.constant 0 : i32
      %dma_wait3A_78 = tpu.memref_slice %arg5[%add3A_73, %dma_wait3A] : memref<20480x128xf32, #tpu.memory_space<hbm>> -> memref<640x128xf32, #tpu.memory_space<hbm>>
      %dma_wait3A_79 = arith.constant 0 : i32
      %dma_wait3A_80 = tpu.memref_slice %arg6[%mul3A_2, %dma_wait3A_79] : memref<10240x128xf32, #tpu.memory_space<vmem_shared>> -> memref<640x128xf32, #tpu.memory_space<vmem_shared>>
      tpu.wait_dma2 semaphore(%run_scoped3A : memref<!tpu.dma_semaphore, #tpu.memory_space<semaphore_mem>>) src(%dma_wait3A_80 : memref<640x128xf32, #tpu.memory_space<vmem_shared>>) dst(%dma_wait3A_78 : memref<640x128xf32, #tpu.memory_space<hbm>>)
      tpu.yield
    }) : () -> ()
    return
  }
}

module attributes {stable_mosaic.version = 14 : i64} {
  func.func @_esplit_body(%arg0: memref<2x320000xi32, #tpu.memory_space<vmem>>, %arg1: memref<2500x128xi32, #tpu.memory_space<vmem>>, %arg2: memref<2500x128xi32, #tpu.memory_space<vmem>>) attributes {dimension_semantics = [], scalar_prefetch = 0 : i64, scratch_operands = 0 : i64, tpu.core_type = #tpu.core_type<tc>} {
    %get3A = arith.constant 0 : index
    %get3A_0 = arith.constant 0 : index
    %get3A_1 = vector.load %arg0[%get3A, %get3A_0] : memref<2x320000xi32, #tpu.memory_space<vmem>>, vector<1x320000xi32>
    %get3A_2 = vector.shape_cast %get3A_1 : vector<1x320000xi32> to vector<320000xi32>
    %reshape3A = vector.shape_cast %get3A_2 : vector<320000xi32> to vector<2500x128xi32>
    %swap3A = arith.constant 0 : index
    %swap3A_3 = arith.constant 0 : index
    %swap3A_4 = vector.load %arg1[%swap3A, %swap3A_3] : memref<2500x128xi32, #tpu.memory_space<vmem>>, vector<2500x128xi32>
    tpu.vector_store %arg1[%swap3A, %swap3A_3], %reshape3A {strides = array<i32>} : memref<2500x128xi32, #tpu.memory_space<vmem>>, vector<2500x128xi32>,
    %get3A_5 = arith.constant 1 : index
    %get3A_6 = arith.constant 0 : index
    %get3A_7 = vector.load %arg0[%get3A_5, %get3A_6] : memref<2x320000xi32, #tpu.memory_space<vmem>>, vector<1x320000xi32>
    %get3A_8 = vector.shape_cast %get3A_7 : vector<1x320000xi32> to vector<320000xi32>
    %reshape3A_9 = vector.shape_cast %get3A_8 : vector<320000xi32> to vector<2500x128xi32>
    %swap3A_10 = arith.constant 0 : index
    %swap3A_11 = arith.constant 0 : index
    %swap3A_12 = vector.load %arg2[%swap3A_10, %swap3A_11] : memref<2500x128xi32, #tpu.memory_space<vmem>>, vector<2500x128xi32>
    tpu.vector_store %arg2[%swap3A_10, %swap3A_11], %reshape3A_9 {strides = array<i32>} : memref<2500x128xi32, #tpu.memory_space<vmem>>, vector<2500x128xi32>,
    return
  }
}

module attributes {stable_mosaic.version = 14 : i64} {
  func.func @_comb_body(%arg0: i32, %arg1: memref<2x1024x128xf32, #tpu.memory_space<vmem>>, %arg2: memref<1x1024xf32, #tpu.memory_space<vmem>>, %arg3: memref<1x1024xf32, #tpu.memory_space<vmem>>, %arg4: memref<1024x128xf32, #tpu.memory_space<vmem>>, %arg5: memref<1x128xf32, #tpu.memory_space<vmem>>, %arg6: memref<128x128xf32, #tpu.memory_space<vmem>>, %arg7: memref<128x128xf32, #tpu.memory_space<vmem>>, %arg8: memref<128x128xf32, #tpu.memory_space<vmem>>, %arg9: memref<1024x128xf32, #tpu.memory_space<vmem>>, %arg10: memref<1024x128xf32, #tpu.memory_space<vmem>>, %arg11: memref<1024x128xf32, #tpu.memory_space<vmem>>) attributes {dimension_semantics = [#tpu.dimension_semantics<arbitrary>], iteration_bounds = array<i64: 10>, scalar_prefetch = 0 : i64, scratch_operands = 0 : i64, tpu.core_type = #tpu.core_type<tc>, window_params = [{transform_indices = @transform_0, window_bounds = array<i64: 2, 1024, 128>}, {transform_indices = @transform_1, window_bounds = array<i64: 1, 1024>}, {transform_indices = @transform_2, window_bounds = array<i64: 1, 1024>}, {transform_indices = @transform_3, window_bounds = array<i64: 1024, 128>}, {pipeline_mode = #tpu.pipeline_mode<synchronous>, transform_indices = @transform_4, window_bounds = array<i64: 1, 128>}, {pipeline_mode = #tpu.pipeline_mode<synchronous>, transform_indices = @transform_5, window_bounds = array<i64: 128, 128>}, {pipeline_mode = #tpu.pipeline_mode<synchronous>, transform_indices = @transform_6, window_bounds = array<i64: 128, 128>}, {pipeline_mode = #tpu.pipeline_mode<synchronous>, transform_indices = @transform_7, window_bounds = array<i64: 128, 128>}, {transform_indices = @transform_8, window_bounds = array<i64: 1024, 128>}, {transform_indices = @transform_9, window_bounds = array<i64: 1024, 128>}, {transform_indices = @transform_10, window_bounds = array<i64: 1024, 128>}]} {
    %get3A = arith.constant 0 : index
    %get3A_0 = arith.constant 0 : index
    %get3A_1 = vector.load %arg2[%get3A, %get3A_0] : memref<1x1024xf32, #tpu.memory_space<vmem>>, vector<1x1024xf32>
    %get3A_2 = arith.constant 0 : index
    %get3A_3 = arith.constant 0 : index
    %get3A_4 = vector.load %arg3[%get3A_2, %get3A_3] : memref<1x1024xf32, #tpu.memory_space<vmem>>, vector<1x1024xf32>
    %add3A = arith.addf %get3A_1, %get3A_4 : vector<1x1024xf32>
    %max3A = arith.constant 1.000000e+00 : f32
    %max3A_5 = vector.broadcast %max3A : f32 to vector<1x1024xf32>
    %max3A_6 = arith.maximumf %add3A, %max3A_5 : vector<1x1024xf32>
    %div3A = arith.constant 1.000000e+00 : f32
    %div3A_7 = vector.broadcast %div3A : f32 to vector<1x1024xf32>
    %div3A_8 = arith.divf %div3A_7, %max3A_6 : vector<1x1024xf32>
    %transpose3A = tpu.transpose %div3A_8, [1, 0] : vector<1x1024xf32> -> vector<1024x1xf32>
    %get3A_9 = arith.constant 0 : index
    %get3A_10 = arith.constant 0 : index
    %get3A_11 = arith.constant 0 : index
    %get3A_12 = vector.load %arg1[%get3A_9, %get3A_10, %get3A_11] : memref<2x1024x128xf32, #tpu.memory_space<vmem>>, vector<1x1024x128xf32>
    %get3A_13 = vector.shape_cast %get3A_12 : vector<1x1024x128xf32> to vector<1024x128xf32>
    %get3A_14 = arith.constant 1 : index
    %get3A_15 = arith.constant 0 : index
    %get3A_16 = arith.constant 0 : index
    %get3A_17 = vector.load %arg1[%get3A_14, %get3A_15, %get3A_16] : memref<2x1024x128xf32, #tpu.memory_space<vmem>>, vector<1x1024x128xf32>
    %get3A_18 = vector.shape_cast %get3A_17 : vector<1x1024x128xf32> to vector<1024x128xf32>
    %add3A_19 = arith.addf %get3A_13, %get3A_18 : vector<1024x128xf32>
    %mul3A = vector.broadcast %transpose3A : vector<1024x1xf32> to vector<1024x128xf32>
    %mul3A_20 = arith.mulf %add3A_19, %mul3A : vector<1024x128xf32>
    %get3A_21 = arith.constant 0 : index
    %get3A_22 = arith.constant 0 : index
    %get3A_23 = vector.load %arg6[%get3A_21, %get3A_22] : memref<128x128xf32, #tpu.memory_space<vmem>>, vector<128x128xf32>
    %dot_general3A = arith.constant dense<0.000000e+00> : vector<1024x128xf32>
    %dot_general3A_24 = tpu.matmul %mul3A_20, %get3A_23, %dot_general3A {dimension_numbers = #tpu.dot_dimension_numbers<[1], [0], [0], [1], [0, 0, 1, 1], [], []>, transpose_lhs_hint = false} : vector<1024x128xf32>, vector<128x128xf32>, vector<1024x128xf32> -> vector<1024x128xf32>
    %get3A_25 = arith.constant 0 : index
    %get3A_26 = arith.constant 0 : index
    %get3A_27 = vector.load %arg4[%get3A_25, %get3A_26] : memref<1024x128xf32, #tpu.memory_space<vmem>>, vector<1024x128xf32>
    %get3A_28 = arith.constant 0 : index
    %get3A_29 = arith.constant 0 : index
    %get3A_30 = vector.load %arg7[%get3A_28, %get3A_29] : memref<128x128xf32, #tpu.memory_space<vmem>>, vector<128x128xf32>
    %dot_general3A_31 = arith.constant dense<0.000000e+00> : vector<1024x128xf32>
    %dot_general3A_32 = tpu.matmul %get3A_27, %get3A_30, %dot_general3A_31 {dimension_numbers = #tpu.dot_dimension_numbers<[1], [0], [0], [1], [0, 0, 1, 1], [], []>, transpose_lhs_hint = false} : vector<1024x128xf32>, vector<128x128xf32>, vector<1024x128xf32> -> vector<1024x128xf32>
    %add3A_33 = arith.addf %dot_general3A_24, %dot_general3A_32 : vector<1024x128xf32>
    %get3A_34 = arith.constant 0 : index
    %get3A_35 = arith.constant 0 : index
    %get3A_36 = vector.load %arg5[%get3A_34, %get3A_35] : memref<1x128xf32, #tpu.memory_space<vmem>>, vector<1x128xf32>
    %add3A_37 = vector.broadcast %get3A_36 : vector<1x128xf32> to vector<1024x128xf32>
    %add3A_38 = arith.addf %add3A_33, %add3A_37 : vector<1024x128xf32>
    %max3A_39 = arith.constant 0.000000e+00 : f32
    %max3A_40 = vector.broadcast %max3A_39 : f32 to vector<1024x128xf32>
    %max3A_41 = arith.maximumf %add3A_38, %max3A_40 : vector<1024x128xf32>
    %swap3A = arith.constant 0 : index
    %swap3A_42 = arith.constant 0 : index
    %swap3A_43 = vector.load %arg9[%swap3A, %swap3A_42] : memref<1024x128xf32, #tpu.memory_space<vmem>>, vector<1024x128xf32>
    tpu.vector_store %arg9[%swap3A, %swap3A_42], %max3A_41 {strides = array<i32>} : memref<1024x128xf32, #tpu.memory_space<vmem>>, vector<1024x128xf32>,
    %get3A_44 = arith.constant 0 : index
    %get3A_45 = arith.constant 0 : index
    %get3A_46 = vector.load %arg8[%get3A_44, %get3A_45] : memref<128x128xf32, #tpu.memory_space<vmem>>, vector<128x128xf32>
    %dot_general3A_47 = arith.constant dense<0.000000e+00> : vector<1024x128xf32>
    %dot_general3A_48 = tpu.matmul %max3A_41, %get3A_46, %dot_general3A_47 {dimension_numbers = #tpu.dot_dimension_numbers<[1], [0], [0], [1], [0, 0, 1, 1], [], []>, transpose_lhs_hint = false} : vector<1024x128xf32>, vector<128x128xf32>, vector<1024x128xf32> -> vector<1024x128xf32>
    %swap3A_49 = arith.constant 0 : index
    %swap3A_50 = arith.constant 0 : index
    %swap3A_51 = vector.load %arg10[%swap3A_49, %swap3A_50] : memref<1024x128xf32, #tpu.memory_space<vmem>>, vector<1024x128xf32>
    tpu.vector_store %arg10[%swap3A_49, %swap3A_50], %dot_general3A_48 {strides = array<i32>} : memref<1024x128xf32, #tpu.memory_space<vmem>>, vector<1024x128xf32>,
    %broadcast_in_dim3A = vector.shape_cast %transpose3A : vector<1024x1xf32> to vector<1024x1xf32>
    %broadcast_in_dim3A_52 = vector.broadcast %broadcast_in_dim3A : vector<1024x1xf32> to vector<1024x128xf32>
    %swap3A_53 = arith.constant 0 : index
    %swap3A_54 = arith.constant 0 : index
    %swap3A_55 = vector.load %arg11[%swap3A_53, %swap3A_54] : memref<1024x128xf32, #tpu.memory_space<vmem>>, vector<1024x128xf32>
    tpu.vector_store %arg11[%swap3A_53, %swap3A_54], %broadcast_in_dim3A_52 {strides = array<i32>} : memref<1024x128xf32, #tpu.memory_space<vmem>>, vector<1024x128xf32>,
    return
  }
  func.func @transform_0(%arg0: i32) -> (i32, i32, i32) {
    %c0_i32 = arith.constant 0 : i32
    %c0_i32_0 = arith.constant 0 : i32
    %c0_i32_1 = arith.constant 0 : i32
    return %c0_i32, %arg0, %c0_i32_0 : i32, i32, i32
  }
  func.func @transform_1(%arg0: i32) -> (i32, i32) {
    %c0_i32 = arith.constant 0 : i32
    %c0_i32_0 = arith.constant 0 : i32
    return %c0_i32, %arg0 : i32, i32
  }
  func.func @transform_2(%arg0: i32) -> (i32, i32) {
    %c0_i32 = arith.constant 0 : i32
    %c0_i32_0 = arith.constant 0 : i32
    return %c0_i32, %arg0 : i32, i32
  }
  func.func @transform_3(%arg0: i32) -> (i32, i32) {
    %c0_i32 = arith.constant 0 : i32
    %c0_i32_0 = arith.constant 0 : i32
    return %arg0, %c0_i32 : i32, i32
  }
  func.func @transform_4(%arg0: i32) -> (i32, i32) {
    %c0_i32 = arith.constant 0 : i32
    %c0_i32_0 = arith.constant 0 : i32
    %c0_i32_1 = arith.constant 0 : i32
    return %c0_i32, %c0_i32_0 : i32, i32
  }
  func.func @transform_5(%arg0: i32) -> (i32, i32) {
    %c0_i32 = arith.constant 0 : i32
    %c0_i32_0 = arith.constant 0 : i32
    %c0_i32_1 = arith.constant 0 : i32
    return %c0_i32, %c0_i32_0 : i32, i32
  }
  func.func @transform_6(%arg0: i32) -> (i32, i32) {
    %c0_i32 = arith.constant 0 : i32
    %c0_i32_0 = arith.constant 0 : i32
    %c0_i32_1 = arith.constant 0 : i32
    return %c0_i32, %c0_i32_0 : i32, i32
  }
  func.func @transform_7(%arg0: i32) -> (i32, i32) {
    %c0_i32 = arith.constant 0 : i32
    %c0_i32_0 = arith.constant 0 : i32
    %c0_i32_1 = arith.constant 0 : i32
    return %c0_i32, %c0_i32_0 : i32, i32
  }
  func.func @transform_8(%arg0: i32) -> (i32, i32) {
    %c0_i32 = arith.constant 0 : i32
    %c0_i32_0 = arith.constant 0 : i32
    return %arg0, %c0_i32 : i32, i32
  }
  func.func @transform_9(%arg0: i32) -> (i32, i32) {
    %c0_i32 = arith.constant 0 : i32
    %c0_i32_0 = arith.constant 0 : i32
    return %arg0, %c0_i32 : i32, i32
  }
  func.func @transform_10(%arg0: i32) -> (i32, i32) {
    %c0_i32 = arith.constant 0 : i32
    %c0_i32_0 = arith.constant 0 : i32
    return %arg0, %c0_i32 : i32, i32
  }
}

module attributes {stable_mosaic.version = 14 : i64} {
  func.func @_fin_body(%arg0: i32, %arg1: memref<2x1000x128xf32, #tpu.memory_space<vmem>>, %arg2: memref<1000x128xf32, #tpu.memory_space<vmem>>, %arg3: memref<1000x128xf32, #tpu.memory_space<vmem>>, %arg4: memref<1x128xf32, #tpu.memory_space<vmem>>, %arg5: memref<128x128xf32, #tpu.memory_space<vmem>>, %arg6: memref<1000x128xf32, #tpu.memory_space<vmem>>) attributes {dimension_semantics = [#tpu.dimension_semantics<arbitrary>], iteration_bounds = array<i64: 10>, scalar_prefetch = 0 : i64, scratch_operands = 0 : i64, tpu.core_type = #tpu.core_type<tc>, window_params = [{transform_indices = @transform_0, window_bounds = array<i64: 2, 1000, 128>}, {transform_indices = @transform_1, window_bounds = array<i64: 1000, 128>}, {transform_indices = @transform_2, window_bounds = array<i64: 1000, 128>}, {pipeline_mode = #tpu.pipeline_mode<synchronous>, transform_indices = @transform_3, window_bounds = array<i64: 1, 128>}, {pipeline_mode = #tpu.pipeline_mode<synchronous>, transform_indices = @transform_4, window_bounds = array<i64: 128, 128>}, {transform_indices = @transform_5, window_bounds = array<i64: 1000, 128>}]} {
    %get3A = arith.constant 0 : index
    %get3A_0 = arith.constant 0 : index
    %get3A_1 = arith.constant 0 : index
    %get3A_2 = vector.load %arg1[%get3A, %get3A_0, %get3A_1] : memref<2x1000x128xf32, #tpu.memory_space<vmem>>, vector<1x1000x128xf32>
    %get3A_3 = vector.shape_cast %get3A_2 : vector<1x1000x128xf32> to vector<1000x128xf32>
    %get3A_4 = arith.constant 1 : index
    %get3A_5 = arith.constant 0 : index
    %get3A_6 = arith.constant 0 : index
    %get3A_7 = vector.load %arg1[%get3A_4, %get3A_5, %get3A_6] : memref<2x1000x128xf32, #tpu.memory_space<vmem>>, vector<1x1000x128xf32>
    %get3A_8 = vector.shape_cast %get3A_7 : vector<1x1000x128xf32> to vector<1000x128xf32>
    %add3A = arith.addf %get3A_3, %get3A_8 : vector<1000x128xf32>
    %get3A_9 = arith.constant 0 : index
    %get3A_10 = arith.constant 0 : index
    %get3A_11 = vector.load %arg2[%get3A_9, %get3A_10] : memref<1000x128xf32, #tpu.memory_space<vmem>>, vector<1000x128xf32>
    %mul3A = arith.mulf %add3A, %get3A_11 : vector<1000x128xf32>
    %get3A_12 = arith.constant 0 : index
    %get3A_13 = arith.constant 0 : index
    %get3A_14 = vector.load %arg5[%get3A_12, %get3A_13] : memref<128x128xf32, #tpu.memory_space<vmem>>, vector<128x128xf32>
    %dot_general3A = arith.constant dense<0.000000e+00> : vector<1000x128xf32>
    %dot_general3A_15 = tpu.matmul %mul3A, %get3A_14, %dot_general3A {dimension_numbers = #tpu.dot_dimension_numbers<[1], [0], [0], [1], [0, 0, 1, 1], [], []>, transpose_lhs_hint = false} : vector<1000x128xf32>, vector<128x128xf32>, vector<1000x128xf32> -> vector<1000x128xf32>
    %get3A_16 = arith.constant 0 : index
    %get3A_17 = arith.constant 0 : index
    %get3A_18 = vector.load %arg3[%get3A_16, %get3A_17] : memref<1000x128xf32, #tpu.memory_space<vmem>>, vector<1000x128xf32>
    %add3A_19 = arith.addf %dot_general3A_15, %get3A_18 : vector<1000x128xf32>
    %get3A_20 = arith.constant 0 : index
    %get3A_21 = arith.constant 0 : index
    %get3A_22 = vector.load %arg4[%get3A_20, %get3A_21] : memref<1x128xf32, #tpu.memory_space<vmem>>, vector<1x128xf32>
    %add3A_23 = vector.broadcast %get3A_22 : vector<1x128xf32> to vector<1000x128xf32>
    %add3A_24 = arith.addf %add3A_19, %add3A_23 : vector<1000x128xf32>
    %max3A = arith.constant 0.000000e+00 : f32
    %max3A_25 = vector.broadcast %max3A : f32 to vector<1000x128xf32>
    %max3A_26 = arith.maximumf %add3A_24, %max3A_25 : vector<1000x128xf32>
    %swap3A = arith.constant 0 : index
    %swap3A_27 = arith.constant 0 : index
    %swap3A_28 = vector.load %arg6[%swap3A, %swap3A_27] : memref<1000x128xf32, #tpu.memory_space<vmem>>, vector<1000x128xf32>
    tpu.vector_store %arg6[%swap3A, %swap3A_27], %max3A_26 {strides = array<i32>} : memref<1000x128xf32, #tpu.memory_space<vmem>>, vector<1000x128xf32>,
    return
  }
  func.func @transform_0(%arg0: i32) -> (i32, i32, i32) {
    %c0_i32 = arith.constant 0 : i32
    %c0_i32_0 = arith.constant 0 : i32
    %c0_i32_1 = arith.constant 0 : i32
    return %c0_i32, %arg0, %c0_i32_0 : i32, i32, i32
  }
  func.func @transform_1(%arg0: i32) -> (i32, i32) {
    %c0_i32 = arith.constant 0 : i32
    %c0_i32_0 = arith.constant 0 : i32
    return %arg0, %c0_i32 : i32, i32
  }
  func.func @transform_2(%arg0: i32) -> (i32, i32) {
    %c0_i32 = arith.constant 0 : i32
    %c0_i32_0 = arith.constant 0 : i32
    return %arg0, %c0_i32 : i32, i32
  }
  func.func @transform_3(%arg0: i32) -> (i32, i32) {
    %c0_i32 = arith.constant 0 : i32
    %c0_i32_0 = arith.constant 0 : i32
    %c0_i32_1 = arith.constant 0 : i32
    return %c0_i32, %c0_i32_0 : i32, i32
  }
  func.func @transform_4(%arg0: i32) -> (i32, i32) {
    %c0_i32 = arith.constant 0 : i32
    %c0_i32_0 = arith.constant 0 : i32
    %c0_i32_1 = arith.constant 0 : i32
    return %c0_i32, %c0_i32_0 : i32, i32
  }
  func.func @transform_5(%arg0: i32) -> (i32, i32) {
    %c0_i32 = arith.constant 0 : i32
    %c0_i32_0 = arith.constant 0 : i32
    return %arg0, %c0_i32 : i32, i32
  }
}

</mosaic_0001>

<sc_bundles>
// kernel: kernel.10.cloned.1.call-start
scs
__scs_entry_jumppad:
0x0: {  	(pc) =	sbr.rel $0x88, $3  }
0x1: {  	(tag) =	ssettag $0x0;
	lr =	simm.s32 $0x1  }
0x2: {  	[smem:$0x3F99] =	sst lr;
	_ =	strace $0xD0000000  }
0x3: {  	_ = 	snop  }
0x4: {  	_ = 	snop  }
0x5: {  	_ = 	snop  }
0x6: {  	_ = 	snop  }
0x7: {  	_ = 	snop  }
__scs_overlays_trampoline_lowered:
0x8: {  	[smem:$0x3FA8] =	sst s0  }
0x9: {  	[smem:$0x3FA9] =	sst s1  }
0xa: {  	[smem:$0x3FAA] =	sst s2  }
0xb: {  	[smem:$0x3FAB] =	sst s3  }
0xc: {  	[smem:$0x3FAC] =	sst s4  }
0xd: {  	[smem:$0x3FAD] =	sst s5  }
0xe: {  	[smem:$0x3FAE] =	sst s6  }
0xf: {  	[smem:$0x3FAF] =	sst s7  }
0x10: {  	[smem:$0x3FB0] =	sst s8  }
0x11: {  	[smem:$0x3FB1] =	sst s9;
	s0 =	simm.s32 @!p0 $0x0  }
0x12: {  	s1 =	sld [smem:$0x3F97];
	s0 =	simm.s32 @p0 $0x1  }
0x13: {  	[smem:$0x3FB2] =	sst s0;
	s0 =	simm.s32 @!p1 $0x0  }
0x14: {  	s2 =	sld [smem:$0x3F96];
	s0 =	simm.s32 @p1 $0x1  }
0x15: {  	[smem:$0x3FB3] =	sst s0;
	s0 =	simm.s32 @!p2 $0x0  }
0x16: {  	s3 =	sld [smem:$0x3FDB];
	s0 =	simm.s32 @p2 $0x1  }
0x17: {  	s4 =	simm.s32 $0x1BF5;
	[smem:$0x3FB5] =	sst s0  }
0x18: {  	s0 =	sld [smem:$0x3F98];
	_ =	swait.ge [sflag:s4], $0x0  }
0x19: {  	s7 =	sld [smem:$0x3F99]  }
0x1a: {  	s8 =	sadd.s32 $0xFFFFE003, lr  }
0x1b: {  	s9 =	sadd.s32 $0xFFFFFEF7, lr;
	s5 =	simm.s32 $0xFFFFFFFF;
	p2 =	slt.u32 s8, $0xFFFFF086  }
0x1c: {  	p1 =	slt.u32 s9, $0xF7A;
	s5 =	simm.s32 @!p2 $0x0  }
0x1d: {  	s5 =	simm.s32 @p1 $0x1;
	p0 =	seq.s32 s7, s2  }
0x1e: {  	s7 =	smul.u32 @!p0 $0xF7A, s2;
	p2 =	seq.s32 @!p0 s5, $0x0  }
0x1f: {  	s9 =	smul.u32 $0xF7A, s1;
	s8 =	simm.s32 @!p0 $0x1BF5;
	p2 =	por !p2, p0  }
0x20: {  	[sflag:s8] =	ssyncset.s32 @!p0 $0xFFFFF086;
	s6 =	sadd.s32 @!p0 s3, s7;
	s7 =	simm.s32 @!p0 $0x108  }
0x21: {  	s3 =	sadd.s32 s3, s9;
	s6 =	sadd.s32 @!p0 $0x88, s6;
	s7 =	simm.s32 @p2 $0x1082  }
0x22: {  	[simem:s7], [sflag:s8] =	dma.local @!p0 [hbm:s6], $0xF7A  }
0x23: {  	s9 =	sor.u32 $0xD0000000, s2;
	s6 =	simm.s32 $0x108;
	_ =	swait.ge @!p0 [sflag:s8], $0x0  }
0x24: {  	s3 =	sadd.s32 $0x88, s3;
	s6 =	simm.s32 @!p1 $0x1082;
	[sflag:s4] =	ssyncset.s32 $0xFFFFF086  }
0x25: {  	[simem:s6], [sflag:s4] =	dma.local [hbm:s3], $0xF7A  }
0x26: {  	[smem:$0x3F99] =	sst s1;
	(tag) =	ssettag s2;
	_ =	strace s9  }
0x27: {  	s1 =	sld [smem:$0x3FA9]  }
0x28: {  	s2 =	sld [smem:$0x3FAA]  }
0x29: {  	s4 =	sld [smem:$0x3FAC]  }
0x2a: {  	p0 =	seq.s32 s5, $0x0;
	s5 =	sld [smem:$0x3FAD]  }
0x2b: {  	s6 =	sld [smem:$0x3FAE]  }
0x2c: {  	s7 =	sld [smem:$0x3FAF]  }
0x2d: {  	s3 =	simm.s32 $0x108;
	s8 =	sld [smem:$0x3FB0]  }
0x2e: {  	s3 =	simm.s32 @!p0 $0x1082;
	s9 =	sld [smem:$0x3FB1]  }
0x2f: {  	lr =	sadd.s32 s0, s3;
	s0 =	sld [smem:$0x3FA8]  }
0x30: {  	s3 =	sld [smem:$0x3FAB]  }
0x31: {  	[smem:$0x3FB4] =	sst s10  }
0x32: {  	s10 =	sld [smem:$0x3FB2];
	_ =	sdelay $0x3  }
0x33: {  	p0 =	seq.s32 s10, $0x1;
	s10 =	sld [smem:$0x3FB4];
	_ =	sdelay $0x3  }
0x34: {  	[smem:$0x3FB4] =	sst s10  }
0x35: {  	s10 =	sld [smem:$0x3FB3];
	_ =	sdelay $0x3  }
0x36: {  	p1 =	seq.s32 s10, $0x1;
	s10 =	sld [smem:$0x3FB4];
	_ =	sdelay $0x3  }
0x37: {  	[smem:$0x3FB4] =	sst s10  }
0x38: {  	s10 =	sld [smem:$0x3FB5]  }
0x39: {  	_ = 	snop;
	(pc) =	sbr.ind lr, $3  }
0x3a: {  	_ = 	snop  }
0x3b: {  	_ = 	snop  }
0x3c: {  	p2 =	seq.s32 s10, $0x1;
	s10 =	sld [smem:$0x3FB4]  }
0x3d: {  	_ =	shalt  }
0x3e: {  	_ =	shalt  }
0x3f: {  	_ =	shalt  }
0x40: {  	_ =	shalt  }
0x41: {  	_ =	shalt  }
0x42: {  	_ =	shalt  }
0x43: {  	_ =	shalt  }
0x44: {  	_ =	shalt  }
0x45: {  	_ =	shalt  }
0x46: {  	_ =	shalt  }
0x47: {  	_ =	shalt  }
0x48: {  	_ =	shalt  }
0x49: {  	_ =	shalt  }
0x4a: {  	_ =	shalt  }
0x4b: {  	_ =	shalt  }
0x4c: {  	_ =	shalt  }
0x4d: {  	_ =	shalt  }
0x4e: {  	_ =	shalt  }
0x4f: {  	_ =	shalt  }
0x50: {  	_ =	shalt  }
0x51: {  	_ =	shalt  }
0x52: {  	_ =	shalt  }
0x53: {  	_ =	shalt  }
0x54: {  	_ =	shalt  }
0x55: {  	_ =	shalt  }
0x56: {  	_ =	shalt  }
0x57: {  	_ =	shalt  }
0x58: {  	_ =	shalt  }
0x59: {  	_ =	shalt  }
0x5a: {  	_ =	shalt  }
0x5b: {  	_ =	shalt  }
0x5c: {  	_ =	shalt  }
0x5d: {  	_ =	shalt  }
0x5e: {  	_ =	shalt  }
0x5f: {  	_ =	shalt  }
0x60: {  	_ =	shalt  }
0x61: {  	_ =	shalt  }
0x62: {  	_ =	shalt  }
0x63: {  	_ =	shalt  }
0x64: {  	_ =	shalt  }
0x65: {  	_ =	shalt  }
0x66: {  	_ =	shalt  }
0x67: {  	_ =	shalt  }
0x68: {  	_ =	shalt  }
0x69: {  	_ =	shalt  }
0x6a: {  	_ =	shalt  }
0x6b: {  	_ =	shalt  }
0x6c: {  	_ =	shalt  }
0x6d: {  	_ =	shalt  }
0x6e: {  	_ =	shalt  }
0x6f: {  	_ =	shalt  }
0x70: {  	_ =	shalt  }
0x71: {  	_ =	shalt  }
0x72: {  	_ =	shalt  }
0x73: {  	_ =	shalt  }
0x74: {  	_ =	shalt  }
0x75: {  	_ =	shalt  }
0x76: {  	_ =	shalt  }
0x77: {  	_ =	shalt  }
0x78: {  	_ =	shalt  }
0x79: {  	_ =	shalt  }
0x7a: {  	_ =	shalt  }
0x7b: {  	_ =	shalt  }
0x7c: {  	_ =	shalt  }
0x7d: {  	_ =	shalt  }
0x7e: {  	_ =	shalt  }
0x7f: {  	_ =	shalt  }
0x80: {  	_ =	shalt  }
0x81: {  	_ =	shalt  }
0x82: {  	_ =	shalt  }
0x83: {  	_ =	shalt  }
0x84: {  	_ =	shalt  }
0x85: {  	_ =	shalt  }
0x86: {  	_ =	shalt  }
0x87: {  	_ =	shalt  }
.Lfunc_end0:
.L_simem_size_0:
called_computation.1_lowered:
.L_overlay_start_0:
0x88: {  	s2 =	sld [smem:$0x3FD9]  }
0x89: {  	s3 =	sld [smem:$0x3FFE];
	_ =	sdelay $0x1  }
0x8a: {  	s1 =	srdreg.scid  }
0x8b: {  	s0 =	sand.u32 $0x1, s1  }
0x8c: {  	s17 =	sshll.u32 s0, $0xA;
	s2 =	sadd.s32 s3, s2  }
0x8d: {  	s2 =	sadd.s32 s2, s17  }
0x8e: {  	[smem:$0x3FC0] =	sst s2  }
0x8f: {  	_ = 	snop  }
0x90: {  	s2 =	sld [smem:$0x3FD0];
	(tm) =	ssettm $0x1  }
0x91: {  	s18 =	sld [smem:$0x3FFB];
	_ =	sdelay $0x3  }
0x92: {  	_ =	strace s18  }
0x93: {  	s3 =	sld [smem:$0x3FFC];
	_ =	sdelay $0x3  }
0x94: {  	_ =	strace s3  }
0x95: {  	s3 =	sld [smem:$0x3FFD];
	_ =	sdelay $0x3  }
0x96: {  	_ =	strace s3  }
0x97: {  	_ =	strace $0x8FFFFFFF  }
0x98: {  	s19 =	sld [smem:$0x3FDB];
	_ =	sdelay $0x1  }
0x99: {  	s4 =	simm.s32 $_scs_section_size  }
0x9a: {  	s5 =	simm.s32 $_size__tile_overlayer_lowered;
	s6 =	simm.s32 $_tile_overlayer_lowered  }
0x9b: {  	s22 =	simm.s32 $0x1BFF;
	s21 =	sshll.u32 s6, $0x1;
	s3 =	sadd.s32 s4, s19  }
0x9c: {  	s7 =	simm.s32 $0x0;
	s20 =	sshll.u32 s5, $0x1;
	s5 =	sadd.s32 s21, s3  }
0x9d: {  	[timem:s7], [sflag:s22] =	dma.local [hbm:s5], s20  }
0x9e: {  	_ =	swait.ge [sflag:s22], s20  }
0x9f: {  	s4 =	ssub.s32 $0x0, s20;
	[sflag:s22] =	ssyncset.done $0x0  }
0xa0: {  	[sflag:s22] =	ssyncadd.s32 s4;
	_ =	sdelay $0x1  }
0xa1: {  	s23 =	simm.s32 $0x1B8B  }
0xa2: {  	_ =	swait.ge [sflag:s23], $0x1  }
0xa3: {  	[sflag:s23] =	ssyncset.done $0x0  }
0xa4: {  	s25 =	simm.s32 $0x1B8E;
	s24 =	sld [smem:$0x3FFE];
	[sflag:s23] =	ssyncadd.s32 $0xFFFFFFFF  }
0xa5: {  	s26 =	simm.s32 $execute0_lowered;
	[smem:$0x3FD2] =	sst s25  }
0xa6: {  	s5 =	sshll.u32 s26, $0x1;
	_ =	strace $0x80000049;
	[dreg:$0x1] =	wrdreg $0xFFFFFFFF  }
0xa7: {  	s28 =	simm.s32 $_size_execute0_lowered;
	s3 =	sadd.s32 s3, s5;
	[dreg:$0x0] =	wrdreg $0x0  }
0xa8: {  	s5 =	sshll.u32 s28, $0x1;
	[dreg:$0x2] =	wrdreg s3  }
0xa9: {  	[dreg:$0x3] =	wrdreg s5  }
0xaa: {  	[dreg:$0x4] =	wrdreg $0xC0  }
0xab: {  	_ =	task [dreg:s7], $0x5FFFF  }
0xac: {  	[dreg:$0x1] =	wrdreg $0xFFFFFFFF  }
0xad: {  	[dreg:$0x0] =	wrdreg $0x60  }
0xae: {  	[dreg:$0x2] =	wrdreg s24  }
0xaf: {  	[dreg:$0x3] =	wrdreg s2  }
0xb0: {  	[dreg:$0x4] =	wrdreg $0x0  }
0xb1: {  	[dreg:$0x5] =	wrdreg $0x9  }
0xb2: {  	_ =	task.clear_ibuf [dreg:s7], $0x6FFFF;
	_ =	strace $0x90000049  }
0xb3: {  	s29 =	simm.s32 $0x9;
	_ =	strace $0x8000004B  }
0xb4: {  	_ =	swait.ge [sflag:s29], $0x1  }
0xb5: {  	[sflag:s29] =	ssyncadd.s32 $0xFFFFFFFF  }
0xb6: {  	_ =	strace $0x9000004B  }
0xb7: {  	_ =	sfence  }
0xb8: {  	s30 =	sld [smem:$0x0];
	_ =	sdelay $0x2  }
0xb9: {  	s31 =	sshll.u32 s1, $0xD;
	s1 =	sshrl.u32 s1, $0x2  }
0xba: {  	s3 =	sand.u32 $0x4000, s31;
	s1 =	sadd.s32 s1, s30  }
0xbb: {  	s0 =	sor.u32 s3, s0;
	s1 =	sshll.u32 s1, $0x11  }
0xbc: {  	s0 =	sor.u32 s1, s0  }
0xbd: {  	s0 =	sadd.s32 $0x8F2B, s0  }
0xbe: {  	[sflag:s0] =	ssyncadd.remote.s32 $0x1  }
0xbf: {  	_ =	sfence.sel $0xFFFF  }
0xc0: {  	[dreg:$0x0] =	wrdreg $0xFFFFFFFF;
	(pc) =	sbr.abs _section_cstart, $3  }
0xc1: {  	[dreg:$0x1] =	wrdreg $0xFFFFFFFF  }
0xc2: {  	_ =	task.clear_ibuf [dreg:s7], $0x2FFFF;
	_ =	strace $0x9FFFFFFF  }
0xc3: {  	(tm) =	ssettm $0x7FFFFFFF  }
tec
execute0_lowered:
.L_overlay_start_1:
0x0: {  	(tag) =	ssettag $0x1  }
0x1: {  	s5 =	rddreg [dreg:$0x0]  }
0x2: {  	s12 =	rddreg [dreg:$0x1]  }
0x3: {  	s2 =	rddreg [dreg:$0x2]  }
0x4: {  	s0 =	rddreg [dreg:$0x3]  }
0x5: {  	s4 =	srdreg.scid;
	s1 =	stileid.u32;
	s3 =	simm.s32 $0x0  }
0x6: {  	s18 =	simm.s32 $0x14000;
	s19 =	simm.s32 $0x15400;
	s20 =	simm.s32 $0x80  }
0x7: {  	s21 =	simm.s32 $0x14080;
	s22 =	simm.s32 $0x1A800;
	s23 =	simm.s32 $0x1  }
0x8: {  	s24 =	simm.s32 $0x2;
	s25 =	simm.s32 $0x16700;
	s6 =	sand.u32 $0x1, s4  }
0x9: {  	s7 =	smul.u32 $0x2800, s1;
	[smem:$0x7FF] =	sst s3;
	s4 =	sadd.s32 $0xCE00, s5  }
0xa: {  	s13 =	sadd.s32 $0x2E00, s5;
	s26 =	smul.u32 $0x50000, s1;
	s29 =	sshll.u32 s1, $0x1  }
0xb: {  	s8 =	smul.u32 $0x28000, s6;
	s28 =	ssub.s32 $0x2, s6;
	s10 =	sor.u32 s6, s29  }
0xc: {  	_ =	strace $0x8000004A;
	s9 =	sshrl.u32 s28, $0x1;
	s11 =	smul.u32 $0x2800, s10  }
0xd: {  	s30 =	sshrl.u32 s26, $0x2;
	s16 =	smul.u32 $0x500, s10;
	s7 =	sadd.s32 s7, s8  }
0xe: {  	s26 =	simm.s32 $0x16780;
	s15 =	ssub.s32 s28, s9;
	s14 =	sadd.s32 s7, s5  }
0xf: {  	s5 =	sadd.s32 s30, s2;
	s17 =	sshrl.u32 s11, $0x3;
	s10 =	sadd.s32 s12, s16  }
0x10: {  	s11 =	sadd.s32 s13, s16;
	s15 =	smax.u32 s15, $0x1;
	s16 =	simm.s32 $0x16800  }
0x11: {  	s6 =	sadd.s32 $0x4000, s5;
	s7 =	sadd.s32 $0x8000, s5;
	s8 =	sadd.s32 $0xC000, s5  }
0x12: {  	s9 =	sadd.s32 $0x10000, s5;
	s31 =	sadd.s32 $0x280, s17;
	s14 =	sadd.s32 $0x34E00, s14  }
0x13: {  	v0 =	vimm.f32 $0.0e+00;
	s17 =	simm.s32 $0x3;
	s12 =	sadd.s32 s12, s31;
	s13 =	sadd.s32 s13, s31  }
.LBB2_1:
0x14: {  	s28 =	simm.s32 $0x0;
	s29 =	simm.s32 $0x200  }
.LBB2_2:
0x15: {  	p0 =	sne.s32 s29, $0xFE00;
	[tilespmem:s28+$0x16870] =	vst v0  }
0x16: {  	[tilespmem:s28+$0x16800] =	vst v0  }
0x17: {  	[tilespmem:s28+$0x16810] =	vst v0  }
.Ltmp0:
0x18: {  	[tilespmem:s28+$0x16820] =	vst v0;
	(pc) =	sbr.rel @p0 .LBB2_2-.Ltmp0, $4  }
0x19: {  	[tilespmem:s28+$0x16830] =	vst v0  }
0x1a: {  	[tilespmem:s28+$0x16840] =	vst v0  }
0x1b: {  	[tilespmem:s28+$0x16850] =	vst v0  }
0x1c: {  	[tilespmem:s28+$0x16860] =	vst v0;
	s28 =	sshra.s32 s29, $0x2;
	s29 =	sadd.s32 $0x200, s29  }
0x1d: {  	[tilespmem:s28+$0x16870] =	vst v0  }
0x1e: {  	[tilespmem:s28+$0x16800] =	vst v0  }
0x1f: {  	[tilespmem:s28+$0x16810] =	vst v0  }
0x20: {  	[tilespmem:s28+$0x16820] =	vst v0  }
0x21: {  	[tilespmem:s28+$0x16830] =	vst v0  }
0x22: {  	[tilespmem:s28+$0x16840] =	vst v0  }
0x23: {  	[tilespmem:s28+$0x16850] =	vst v0  }
0x24: {  	[tilespmem:s28+$0x16860] =	vst v0  }
0x25: {  	[spmem:s5] =	stream.linear.scatter [tilespmem:s16], [sflag:$0x3], $0x4000, $0x38;
	[tilespmem:$0x1E800] =	vst v63  }
0x26: {  	_ =	swait.ge [sflag:s17], $0x4000  }
0x27: {  	[sflag:s17] =	ssyncset.done $0x0  }
0x28: {  	[sflag:s17] =	ssyncadd.s32 $0xFFFFC000  }
0x29: {  	[spmem:s6] =	stream.linear.scatter [tilespmem:s16], [sflag:$0x3], $0x4000, $0x38;
	[tilespmem:$0x1E800] =	vst v63  }
0x2a: {  	_ =	swait.ge [sflag:s17], $0x4000  }
0x2b: {  	[sflag:s17] =	ssyncset.done $0x0  }
0x2c: {  	[sflag:s17] =	ssyncadd.s32 $0xFFFFC000  }
0x2d: {  	[spmem:s7] =	stream.linear.scatter [tilespmem:s16], [sflag:$0x3], $0x4000, $0x38;
	[tilespmem:$0x1E800] =	vst v63  }
0x2e: {  	_ =	swait.ge [sflag:s17], $0x4000  }
0x2f: {  	[sflag:s17] =	ssyncset.done $0x0  }
0x30: {  	[sflag:s17] =	ssyncadd.s32 $0xFFFFC000  }
0x31: {  	[spmem:s8] =	stream.linear.scatter [tilespmem:s16], [sflag:$0x3], $0x4000, $0x38;
	[tilespmem:$0x1E800] =	vst v63  }
0x32: {  	_ =	swait.ge [sflag:s17], $0x4000  }
0x33: {  	[sflag:s17] =	ssyncset.done $0x0  }
0x34: {  	[sflag:s17] =	ssyncadd.s32 $0xFFFFC000  }
0x35: {  	[spmem:s9] =	stream.linear.scatter [tilespmem:s16], [sflag:$0x3], $0x4000, $0x38;
	[tilespmem:$0x1E800] =	vst v63  }
0x36: {  	_ =	swait.ge [sflag:s17], $0x4000  }
0x37: {  	[sflag:s17] =	ssyncset.done $0x0  }
0x38: {  	[sflag:s17] =	ssyncadd.s32 $0xFFFFC000  }
0x39: {  	s28 =	simm.s32 $0x0;
	[bflag:$0x0] =	sbarrier.arrive $0xFFFF  }
0x3a: {  	[tilespmem:s18], [sflag:$0x3] =	stream.linear.gather [hbm4b:s10+s28], $0x1400, $0x38;
	[tilespmem:$0x1E800] =	vst v63  }
0x3b: {  	_ =	swait.ge [sflag:s17], $0x1400  }
0x3c: {  	[sflag:s17] =	ssyncset.done $0x0  }
0x3d: {  	[sflag:s17] =	ssyncadd.s32 $0xFFFFEC00  }
0x3e: {  	[tilespmem:s19], [sflag:$0x3] =	stream.linear.gather [hbm4b:s11+s28], $0x1400, $0x38;
	[tilespmem:$0x1E800] =	vst v63  }
0x3f: {  	_ =	swait.ge [sflag:s17], $0x1400  }
0x40: {  	[sflag:s17] =	ssyncset.done $0x0  }
0x41: {  	[sflag:s17] =	ssyncadd.s32 $0xFFFFEC00  }
0x42: {  	[tilespmem:s16], [sflag:$0x1] =	stream.indirect.gather [hbm4b:s4+s20], $0x80, s18, s20, $0xb8;
	[tilespmem:$0x1E800] =	vst v63  }
0x43: {  	_ = 	snop  }
0x44: {  	[tilespmem:s22], [sflag:$0x2] =	stream.indirect.gather [hbm4b:s4+s20], $0x80, s21, s20, $0xb8;
	[tilespmem:$0x1E800] =	vst v63  }
0x45: {  	_ =	swait.ge [sflag:s23], $0x4000  }
0x46: {  	[sflag:s23] =	ssyncset.done $0x0  }
0x47: {  	s28 =	simm.s32 $0x15400;
	[sflag:s23] =	ssyncadd.s32 $0xFFFFC000  }
0x48: {  	[spmem:s2] =	stream.indirect.scatter.add.f32 [tilespmem:s16], [sflag:$0x3], $0x80, s28, s20, $0xb8;
	[tilespmem:$0x1E800] =	vst v63  }
0x49: {  	_ =	swait.ge [sflag:s17], $0x4000  }
0x4a: {  	[sflag:s17] =	ssyncset.done $0x0  }
0x4b: {  	s28 =	simm.s32 $0x14100;
	[sflag:s17] =	ssyncadd.s32 $0xFFFFC000  }
0x4c: {  	[tilespmem:s16], [sflag:$0x1] =	stream.indirect.gather [hbm4b:s4+s20], $0x80, s28, s20, $0xb8;
	[tilespmem:$0x1E800] =	vst v63  }
0x4d: {  	_ =	swait.ge [sflag:s24], $0x4000  }
0x4e: {  	[sflag:s24] =	ssyncset.done $0x0  }
0x4f: {  	s28 =	simm.s32 $0x15480;
	[sflag:s24] =	ssyncadd.s32 $0xFFFFC000  }
0x50: {  	[spmem:s2] =	stream.indirect.scatter.add.f32 [tilespmem:s22], [sflag:$0x3], $0x80, s28, s20, $0xb8;
	[tilespmem:$0x1E800] =	vst v63  }
0x51: {  	_ =	swait.ge [sflag:s17], $0x4000  }
0x52: {  	[sflag:s17] =	ssyncset.done $0x0  }
0x53: {  	s29 =	simm.s32 $0x14180;
	s28 =	simm.s32 $0x400;
	[sflag:s17] =	ssyncadd.s32 $0xFFFFC000  }
.LBB2_4:
0x54: {  	[tilespmem:s22], [sflag:$0x2] =	stream.indirect.gather [hbm4b:s4+s20], $0x80, s29, s20, $0xb8;
	[tilespmem:$0x1E800] =	vst v63  }
0x55: {  	s29 =	smov.u32 s28  }
0x56: {  	p0 =	sne.s32 s28, $0x4800;
	s28 =	sadd.s32 $0x400, s28;
	_ =	swait.ge [sflag:s23], $0x4000  }
0x57: {  	s29 =	sshra.s32 s29, $0x2;
	[sflag:s23] =	ssyncset.done $0x0  }
0x58: {  	s30 =	sadd.s32 $0x15400, s29;
	[sflag:s23] =	ssyncadd.s32 $0xFFFFC000  }
0x59: {  	[spmem:s2] =	stream.indirect.scatter.add.f32 [tilespmem:s16], [sflag:$0x3], $0x80, s30, s20, $0xb8;
	[tilespmem:$0x1E800] =	vst v63  }
0x5a: {  	_ =	swait.ge [sflag:s17], $0x4000  }
0x5b: {  	[sflag:s17] =	ssyncset.done $0x0  }
0x5c: {  	s30 =	sadd.s32 $0x14100, s29;
	[sflag:s17] =	ssyncadd.s32 $0xFFFFC000  }
0x5d: {  	[tilespmem:s16], [sflag:$0x1] =	stream.indirect.gather [hbm4b:s4+s20], $0x80, s30, s20, $0xb8;
	[tilespmem:$0x1E800] =	vst v63  }
0x5e: {  	_ =	swait.ge [sflag:s24], $0x4000  }
0x5f: {  	[sflag:s24] =	ssyncset.done $0x0  }
.Ltmp1:
0x60: {  	s30 =	sadd.s32 $0x15480, s29;
	[sflag:s24] =	ssyncadd.s32 $0xFFFFC000;
	(pc) =	sbr.rel @p0 .LBB2_4-.Ltmp1, $4  }
0x61: {  	[spmem:s2] =	stream.indirect.scatter.add.f32 [tilespmem:s22], [sflag:$0x3], $0x80, s30, s20, $0xb8;
	[tilespmem:$0x1E800] =	vst v63  }
0x62: {  	_ =	swait.ge [sflag:s17], $0x4000  }
0x63: {  	[sflag:s17] =	ssyncset.done $0x0  }
0x64: {  	s29 =	sadd.s32 $0x14180, s29;
	[sflag:s17] =	ssyncadd.s32 $0xFFFFC000  }
0x65: {  	[tilespmem:s22], [sflag:$0x2] =	stream.indirect.gather [hbm4b:s4+s20], $0x80, s29, s20, $0xb8;
	[tilespmem:$0x1E800] =	vst v63  }
0x66: {  	_ =	swait.ge [sflag:s23], $0x4000  }
0x67: {  	[sflag:s23] =	ssyncset.done $0x0  }
0x68: {  	[sflag:s23] =	ssyncadd.s32 $0xFFFFC000  }
0x69: {  	[spmem:s2] =	stream.indirect.scatter.add.f32 [tilespmem:s16], [sflag:$0x3], $0x80, s25, s20, $0xb8;
	[tilespmem:$0x1E800] =	vst v63  }
0x6a: {  	_ =	swait.ge [sflag:s17], $0x4000  }
0x6b: {  	[sflag:s17] =	ssyncset.done $0x0  }
0x6c: {  	[sflag:s17] =	ssyncadd.s32 $0xFFFFC000  }
0x6d: {  	_ =	swait.ge [sflag:s24], $0x4000  }
0x6e: {  	[sflag:s24] =	ssyncset.done $0x0  }
0x6f: {  	[sflag:s24] =	ssyncadd.s32 $0xFFFFC000  }
0x70: {  	[spmem:s2] =	stream.indirect.scatter.add.f32 [tilespmem:s22], [sflag:$0x3], $0x80, s26, s20, $0xb8;
	[tilespmem:$0x1E800] =	vst v63  }
0x71: {  	_ =	swait.ge [sflag:s17], $0x4000  }
0x72: {  	[sflag:s17] =	ssyncset.done $0x0  }
0x73: {  	s28 =	simm.s32 $0x0;
	[sflag:s17] =	ssyncadd.s32 $0xFFFFC000  }
0x74: {  	[tilespmem:s18], [sflag:$0x3] =	stream.linear.gather [hbm4b:s12+s28], $0x1400, $0x38;
	[tilespmem:$0x1E800] =	vst v63  }
0x75: {  	_ =	swait.ge [sflag:s17], $0x1400  }
0x76: {  	[sflag:s17] =	ssyncset.done $0x0  }
0x77: {  	[sflag:s17] =	ssyncadd.s32 $0xFFFFEC00  }
0x78: {  	[tilespmem:s19], [sflag:$0x3] =	stream.linear.gather [hbm4b:s13+s28], $0x1400, $0x38;
	[tilespmem:$0x1E800] =	vst v63  }
0x79: {  	_ =	swait.ge [sflag:s17], $0x1400  }
0x7a: {  	[sflag:s17] =	ssyncset.done $0x0  }
0x7b: {  	[sflag:s17] =	ssyncadd.s32 $0xFFFFEC00  }
0x7c: {  	[tilespmem:s16], [sflag:$0x1] =	stream.indirect.gather [hbm4b:s4+s20], $0x80, s18, s20, $0xb8;
	[tilespmem:$0x1E800] =	vst v63  }
0x7d: {  	_ = 	snop  }
0x7e: {  	[tilespmem:s22], [sflag:$0x2] =	stream.indirect.gather [hbm4b:s4+s20], $0x80, s21, s20, $0xb8;
	[tilespmem:$0x1E800] =	vst v63  }
0x7f: {  	_ =	swait.ge [sflag:s23], $0x4000  }
0x80: {  	[sflag:s23] =	ssyncset.done $0x0  }
0x81: {  	s28 =	simm.s32 $0x15400;
	[sflag:s23] =	ssyncadd.s32 $0xFFFFC000  }
0x82: {  	[spmem:s2] =	stream.indirect.scatter.add.f32 [tilespmem:s16], [sflag:$0x3], $0x80, s28, s20, $0xb8;
	[tilespmem:$0x1E800] =	vst v63  }
0x83: {  	_ =	swait.ge [sflag:s17], $0x4000  }
0x84: {  	[sflag:s17] =	ssyncset.done $0x0  }
0x85: {  	s28 =	simm.s32 $0x14100;
	[sflag:s17] =	ssyncadd.s32 $0xFFFFC000  }
0x86: {  	[tilespmem:s16], [sflag:$0x1] =	stream.indirect.gather [hbm4b:s4+s20], $0x80, s28, s20, $0xb8;
	[tilespmem:$0x1E800] =	vst v63  }
0x87: {  	_ =	swait.ge [sflag:s24], $0x4000  }
0x88: {  	[sflag:s24] =	ssyncset.done $0x0  }
0x89: {  	s28 =	simm.s32 $0x15480;
	[sflag:s24] =	ssyncadd.s32 $0xFFFFC000  }
0x8a: {  	[spmem:s2] =	stream.indirect.scatter.add.f32 [tilespmem:s22], [sflag:$0x3], $0x80, s28, s20, $0xb8;
	[tilespmem:$0x1E800] =	vst v63  }
0x8b: {  	_ =	swait.ge [sflag:s17], $0x4000  }
0x8c: {  	[sflag:s17] =	ssyncset.done $0x0  }
0x8d: {  	s29 =	simm.s32 $0x14180;
	s28 =	simm.s32 $0x400;
	[sflag:s17] =	ssyncadd.s32 $0xFFFFC000  }
.LBB2_6:
0x8e: {  	[tilespmem:s22], [sflag:$0x2] =	stream.indirect.gather [hbm4b:s4+s20], $0x80, s29, s20, $0xb8;
	[tilespmem:$0x1E800] =	vst v63  }
0x8f: {  	s29 =	smov.u32 s28  }
0x90: {  	p0 =	sne.s32 s28, $0x4800;
	s28 =	sadd.s32 $0x400, s28;
	_ =	swait.ge [sflag:s23], $0x4000  }
0x91: {  	s29 =	sshra.s32 s29, $0x2;
	[sflag:s23] =	ssyncset.done $0x0  }
0x92: {  	s30 =	sadd.s32 $0x15400, s29;
	[sflag:s23] =	ssyncadd.s32 $0xFFFFC000  }
0x93: {  	[spmem:s2] =	stream.indirect.scatter.add.f32 [tilespmem:s16], [sflag:$0x3], $0x80, s30, s20, $0xb8;
	[tilespmem:$0x1E800] =	vst v63  }
0x94: {  	_ =	swait.ge [sflag:s17], $0x4000  }
0x95: {  	[sflag:s17] =	ssyncset.done $0x0  }
0x96: {  	s30 =	sadd.s32 $0x14100, s29;
	[sflag:s17] =	ssyncadd.s32 $0xFFFFC000  }
0x97: {  	[tilespmem:s16], [sflag:$0x1] =	stream.indirect.gather [hbm4b:s4+s20], $0x80, s30, s20, $0xb8;
	[tilespmem:$0x1E800] =	vst v63  }
0x98: {  	_ =	swait.ge [sflag:s24], $0x4000  }
0x99: {  	[sflag:s24] =	ssyncset.done $0x0  }
.Ltmp2:
0x9a: {  	s30 =	sadd.s32 $0x15480, s29;
	[sflag:s24] =	ssyncadd.s32 $0xFFFFC000;
	(pc) =	sbr.rel @p0 .LBB2_6-.Ltmp2, $4  }
0x9b: {  	[spmem:s2] =	stream.indirect.scatter.add.f32 [tilespmem:s22], [sflag:$0x3], $0x80, s30, s20, $0xb8;
	[tilespmem:$0x1E800] =	vst v63  }
0x9c: {  	_ =	swait.ge [sflag:s17], $0x4000  }
0x9d: {  	[sflag:s17] =	ssyncset.done $0x0  }
0x9e: {  	s29 =	sadd.s32 $0x14180, s29;
	[sflag:s17] =	ssyncadd.s32 $0xFFFFC000  }
0x9f: {  	[tilespmem:s22], [sflag:$0x2] =	stream.indirect.gather [hbm4b:s4+s20], $0x80, s29, s20, $0xb8;
	[tilespmem:$0x1E800] =	vst v63  }
0xa0: {  	_ =	swait.ge [sflag:s23], $0x4000  }
0xa1: {  	[sflag:s23] =	ssyncset.done $0x0  }
0xa2: {  	[sflag:s23] =	ssyncadd.s32 $0xFFFFC000  }
0xa3: {  	[spmem:s2] =	stream.indirect.scatter.add.f32 [tilespmem:s16], [sflag:$0x3], $0x80, s25, s20, $0xb8;
	[tilespmem:$0x1E800] =	vst v63  }
0xa4: {  	_ =	swait.ge [sflag:s17], $0x4000  }
0xa5: {  	[sflag:s17] =	ssyncset.done $0x0  }
0xa6: {  	[sflag:s17] =	ssyncadd.s32 $0xFFFFC000  }
0xa7: {  	_ =	swait.ge [sflag:s24], $0x4000  }
0xa8: {  	[sflag:s24] =	ssyncset.done $0x0  }
0xa9: {  	[sflag:s24] =	ssyncadd.s32 $0xFFFFC000  }
0xaa: {  	[spmem:s2] =	stream.indirect.scatter.add.f32 [tilespmem:s22], [sflag:$0x3], $0x80, s26, s20, $0xb8;
	[tilespmem:$0x1E800] =	vst v63  }
0xab: {  	_ =	swait.ge [sflag:s17], $0x4000  }
0xac: {  	s28 =	sshll.u32 s1, $0x6;
	s3 =	sadd.s32 $0x1, s3;
	[sflag:s17] =	ssyncset.done $0x0  }
0xad: {  	s31 =	sshrl.u32 s5, $0x3;
	p0 =	sne.s32 s3, s15;
	[sflag:s17] =	ssyncadd.s32 $0xFFFFC000  }
.Ltmp3:
0xae: {  	s28 =	sor.u32 $0x1C03, s28;
	[bflag:$0x0] =	sbarrier.arrive $0xFFFF;
	(pc) =	sbr.rel @p0 .LBB2_1-.Ltmp3, $4  }
0xaf: {  	[hbm:s14], [sflag:s28] =	dma.local [spmem:s31], $0x2800  }
0xb0: {  	_ =	swait.ge [sflag:s17], $0x2800  }
0xb1: {  	[sflag:s17] =	ssyncset.done $0x0  }
0xb2: {  	[sflag:s17] =	ssyncadd.s32 $0xFFFFD800  }
0xb3: {  	_ =	sfence.sel $0x180000  }
0xb4: {  	[bflag:$0x0] =	sbarrier.arrive $0xFFFF  }
0xb5: {  	p0 =	sne.s32 s1, $0x0;
	_ =	strace $0x9000004A  }
0xb6: {  	s0 =	sadd.s32 @!p0 $0x100000, s0;
	[bflag:$0x2] =	sbarrier.arrive $0xFFFF  }
0xb7: {  	[sflag:s0] =	ssyncadd.tile.s32 @!p0 $0x1;
	_ =	shalt  }
.Lfunc_end2:
_tile_overlayer_lowered:
.L_overlay_start_2:
0xb8: {  	(tag) =	ssettag $0x2  }
0xb9: {  	s0 =	rddreg [dreg:$0x0];
	s2 =	stileid.u32  }
0xba: {  	s1 =	rddreg [dreg:$0x1];
	p0 =	sne.s32 s2, $0x0  }
0xbb: {  	s3 =	rddreg [dreg:$0x2];
	[bflag:$0x3] =	sbarrier.arrive $0xFFFF;
	s2 =	simm.s32 @!p0 $0x1C03  }
0xbc: {  	[timem:s3], [sflag:s2] =	dma.local @!p0 [hbm:s0], s1  }
0xbd: {  	s0 =	simm.s32 @!p0 $0x3  }
0xbe: {  	_ =	swait.ge @!p0 [sflag:s0], s1  }
0xbf: {  	s1 =	ssub.s32 @!p0 $0x0, s1;
	[sflag:s0] =	ssyncset.done @!p0 $0x0  }
0xc0: {  	[sflag:s0] =	ssyncadd.s32 @!p0 s1  }
0xc1: {  	[bflag:$0x3] =	sbarrier.arrive $0xFFFF  }
0xc2: {  	_ =	shalt  }

// kernel: kernel.7.cloned.1.call-start
scs
__scs_entry_jumppad:
0x0: {  	(pc) =	sbr.rel $0x88, $3  }
0x1: {  	(tag) =	ssettag $0x0;
	lr =	simm.s32 $0x1  }
0x2: {  	[smem:$0x3F99] =	sst lr;
	_ =	strace $0xD0000000  }
0x3: {  	_ = 	snop  }
0x4: {  	_ = 	snop  }
0x5: {  	_ = 	snop  }
0x6: {  	_ = 	snop  }
0x7: {  	_ = 	snop  }
__scs_overlays_trampoline_lowered:
0x8: {  	[smem:$0x3FA8] =	sst s0  }
0x9: {  	[smem:$0x3FA9] =	sst s1  }
0xa: {  	[smem:$0x3FAA] =	sst s2  }
0xb: {  	[smem:$0x3FAB] =	sst s3  }
0xc: {  	[smem:$0x3FAC] =	sst s4  }
0xd: {  	[smem:$0x3FAD] =	sst s5  }
0xe: {  	[smem:$0x3FAE] =	sst s6  }
0xf: {  	[smem:$0x3FAF] =	sst s7  }
0x10: {  	[smem:$0x3FB0] =	sst s8  }
0x11: {  	[smem:$0x3FB1] =	sst s9;
	s0 =	simm.s32 @!p0 $0x0  }
0x12: {  	s1 =	sld [smem:$0x3F97];
	s0 =	simm.s32 @p0 $0x1  }
0x13: {  	[smem:$0x3FB2] =	sst s0;
	s0 =	simm.s32 @!p1 $0x0  }
0x14: {  	s2 =	sld [smem:$0x3F96];
	s0 =	simm.s32 @p1 $0x1  }
0x15: {  	[smem:$0x3FB3] =	sst s0;
	s0 =	simm.s32 @!p2 $0x0  }
0x16: {  	s3 =	sld [smem:$0x3FDB];
	s0 =	simm.s32 @p2 $0x1  }
0x17: {  	s4 =	simm.s32 $0x1BF5;
	[smem:$0x3FB5] =	sst s0  }
0x18: {  	s0 =	sld [smem:$0x3F98];
	_ =	swait.ge [sflag:s4], $0x0  }
0x19: {  	s7 =	sld [smem:$0x3F99]  }
0x1a: {  	s8 =	sadd.s32 $0xFFFFE003, lr  }
0x1b: {  	s9 =	sadd.s32 $0xFFFFFEF7, lr;
	s5 =	simm.s32 $0xFFFFFFFF;
	p2 =	slt.u32 s8, $0xFFFFF086  }
0x1c: {  	p1 =	slt.u32 s9, $0xF7A;
	s5 =	simm.s32 @!p2 $0x0  }
0x1d: {  	s5 =	simm.s32 @p1 $0x1;
	p0 =	seq.s32 s7, s2  }
0x1e: {  	s7 =	smul.u32 @!p0 $0xF7A, s2;
	p2 =	seq.s32 @!p0 s5, $0x0  }
0x1f: {  	s9 =	smul.u32 $0xF7A, s1;
	s8 =	simm.s32 @!p0 $0x1BF5;
	p2 =	por !p2, p0  }
0x20: {  	[sflag:s8] =	ssyncset.s32 @!p0 $0xFFFFF086;
	s6 =	sadd.s32 @!p0 s3, s7;
	s7 =	simm.s32 @!p0 $0x108  }
0x21: {  	s3 =	sadd.s32 s3, s9;
	s6 =	sadd.s32 @!p0 $0x88, s6;
	s7 =	simm.s32 @p2 $0x1082  }
0x22: {  	[simem:s7], [sflag:s8] =	dma.local @!p0 [hbm:s6], $0xF7A  }
0x23: {  	s9 =	sor.u32 $0xD0000000, s2;
	s6 =	simm.s32 $0x108;
	_ =	swait.ge @!p0 [sflag:s8], $0x0  }
0x24: {  	s3 =	sadd.s32 $0x88, s3;
	s6 =	simm.s32 @!p1 $0x1082;
	[sflag:s4] =	ssyncset.s32 $0xFFFFF086  }
0x25: {  	[simem:s6], [sflag:s4] =	dma.local [hbm:s3], $0xF7A  }
0x26: {  	[smem:$0x3F99] =	sst s1;
	(tag) =	ssettag s2;
	_ =	strace s9  }
0x27: {  	s1 =	sld [smem:$0x3FA9]  }
0x28: {  	s2 =	sld [smem:$0x3FAA]  }
0x29: {  	s4 =	sld [smem:$0x3FAC]  }
0x2a: {  	p0 =	seq.s32 s5, $0x0;
	s5 =	sld [smem:$0x3FAD]  }
0x2b: {  	s6 =	sld [smem:$0x3FAE]  }
0x2c: {  	s7 =	sld [smem:$0x3FAF]  }
0x2d: {  	s3 =	simm.s32 $0x108;
	s8 =	sld [smem:$0x3FB0]  }
0x2e: {  	s3 =	simm.s32 @!p0 $0x1082;
	s9 =	sld [smem:$0x3FB1]  }
0x2f: {  	lr =	sadd.s32 s0, s3;
	s0 =	sld [smem:$0x3FA8]  }
0x30: {  	s3 =	sld [smem:$0x3FAB]  }
0x31: {  	[smem:$0x3FB4] =	sst s10  }
0x32: {  	s10 =	sld [smem:$0x3FB2];
	_ =	sdelay $0x3  }
0x33: {  	p0 =	seq.s32 s10, $0x1;
	s10 =	sld [smem:$0x3FB4];
	_ =	sdelay $0x3  }
0x34: {  	[smem:$0x3FB4] =	sst s10  }
0x35: {  	s10 =	sld [smem:$0x3FB3];
	_ =	sdelay $0x3  }
0x36: {  	p1 =	seq.s32 s10, $0x1;
	s10 =	sld [smem:$0x3FB4];
	_ =	sdelay $0x3  }
0x37: {  	[smem:$0x3FB4] =	sst s10  }
0x38: {  	s10 =	sld [smem:$0x3FB5]  }
0x39: {  	_ = 	snop;
	(pc) =	sbr.ind lr, $3  }
0x3a: {  	_ = 	snop  }
0x3b: {  	_ = 	snop  }
0x3c: {  	p2 =	seq.s32 s10, $0x1;
	s10 =	sld [smem:$0x3FB4]  }
0x3d: {  	_ =	shalt  }
0x3e: {  	_ =	shalt  }
0x3f: {  	_ =	shalt  }
0x40: {  	_ =	shalt  }
0x41: {  	_ =	shalt  }
0x42: {  	_ =	shalt  }
0x43: {  	_ =	shalt  }
0x44: {  	_ =	shalt  }
0x45: {  	_ =	shalt  }
0x46: {  	_ =	shalt  }
0x47: {  	_ =	shalt  }
0x48: {  	_ =	shalt  }
0x49: {  	_ =	shalt  }
0x4a: {  	_ =	shalt  }
0x4b: {  	_ =	shalt  }
0x4c: {  	_ =	shalt  }
0x4d: {  	_ =	shalt  }
0x4e: {  	_ =	shalt  }
0x4f: {  	_ =	shalt  }
0x50: {  	_ =	shalt  }
0x51: {  	_ =	shalt  }
0x52: {  	_ =	shalt  }
0x53: {  	_ =	shalt  }
0x54: {  	_ =	shalt  }
0x55: {  	_ =	shalt  }
0x56: {  	_ =	shalt  }
0x57: {  	_ =	shalt  }
0x58: {  	_ =	shalt  }
0x59: {  	_ =	shalt  }
0x5a: {  	_ =	shalt  }
0x5b: {  	_ =	shalt  }
0x5c: {  	_ =	shalt  }
0x5d: {  	_ =	shalt  }
0x5e: {  	_ =	shalt  }
0x5f: {  	_ =	shalt  }
0x60: {  	_ =	shalt  }
0x61: {  	_ =	shalt  }
0x62: {  	_ =	shalt  }
0x63: {  	_ =	shalt  }
0x64: {  	_ =	shalt  }
0x65: {  	_ =	shalt  }
0x66: {  	_ =	shalt  }
0x67: {  	_ =	shalt  }
0x68: {  	_ =	shalt  }
0x69: {  	_ =	shalt  }
0x6a: {  	_ =	shalt  }
0x6b: {  	_ =	shalt  }
0x6c: {  	_ =	shalt  }
0x6d: {  	_ =	shalt  }
0x6e: {  	_ =	shalt  }
0x6f: {  	_ =	shalt  }
0x70: {  	_ =	shalt  }
0x71: {  	_ =	shalt  }
0x72: {  	_ =	shalt  }
0x73: {  	_ =	shalt  }
0x74: {  	_ =	shalt  }
0x75: {  	_ =	shalt  }
0x76: {  	_ =	shalt  }
0x77: {  	_ =	shalt  }
0x78: {  	_ =	shalt  }
0x79: {  	_ =	shalt  }
0x7a: {  	_ =	shalt  }
0x7b: {  	_ =	shalt  }
0x7c: {  	_ =	shalt  }
0x7d: {  	_ =	shalt  }
0x7e: {  	_ =	shalt  }
0x7f: {  	_ =	shalt  }
0x80: {  	_ =	shalt  }
0x81: {  	_ =	shalt  }
0x82: {  	_ =	shalt  }
0x83: {  	_ =	shalt  }
0x84: {  	_ =	shalt  }
0x85: {  	_ =	shalt  }
0x86: {  	_ =	shalt  }
0x87: {  	_ =	shalt  }
.Lfunc_end0:
.L_simem_size_0:
called_computation_lowered:
.L_overlay_start_0:
0x88: {  	s2 =	sld [smem:$0x3FD9]  }
0x89: {  	s3 =	sld [smem:$0x3FFE];
	_ =	sdelay $0x1  }
0x8a: {  	s1 =	srdreg.scid  }
0x8b: {  	s0 =	sand.u32 $0x1, s1  }
0x8c: {  	s17 =	sshll.u32 s0, $0xA;
	s2 =	sadd.s32 s3, s2  }
0x8d: {  	s2 =	sadd.s32 s2, s17  }
0x8e: {  	[smem:$0x3FC0] =	sst s2  }
0x8f: {  	_ = 	snop  }
0x90: {  	s2 =	sld [smem:$0x3FC9]  }
0x91: {  	s18 =	sld [smem:$0x3FD0];
	(tm) =	ssettm $0x1  }
0x92: {  	s4 =	sld [smem:$0x3FFB];
	_ =	sdelay $0x3  }
0x93: {  	_ =	strace s4  }
0x94: {  	s4 =	sld [smem:$0x3FFC];
	_ =	sdelay $0x3  }
0x95: {  	_ =	strace s4  }
0x96: {  	s4 =	sld [smem:$0x3FFD];
	_ =	sdelay $0x3  }
0x97: {  	_ =	strace s4  }
0x98: {  	_ =	strace $0x8FFFFFFF  }
0x99: {  	s19 =	sld [smem:$0x3FDB];
	_ =	sdelay $0x1  }
0x9a: {  	s5 =	simm.s32 $_scs_section_size  }
0x9b: {  	s6 =	simm.s32 $_size__tile_overlayer_lowered;
	s7 =	simm.s32 $_tile_overlayer_lowered  }
0x9c: {  	s22 =	simm.s32 $0x1BFF;
	s21 =	sshll.u32 s7, $0x1;
	s4 =	sadd.s32 s5, s19  }
0x9d: {  	s8 =	simm.s32 $0x0;
	s20 =	sshll.u32 s6, $0x1;
	s6 =	sadd.s32 s21, s4  }
0x9e: {  	[timem:s8], [sflag:s22] =	dma.local [hbm:s6], s20  }
0x9f: {  	_ =	swait.ge [sflag:s22], s20  }
0xa0: {  	s5 =	ssub.s32 $0x0, s20;
	[sflag:s22] =	ssyncset.done $0x0  }
0xa1: {  	[sflag:s22] =	ssyncadd.s32 s5;
	_ =	sdelay $0x1  }
0xa2: {  	s23 =	simm.s32 $0x1B8B  }
0xa3: {  	_ =	swait.ge [sflag:s23], $0x1  }
0xa4: {  	[sflag:s23] =	ssyncset.done $0x0  }
0xa5: {  	s25 =	simm.s32 $0x1B8E;
	s24 =	sld [smem:$0x3FFE];
	[sflag:s23] =	ssyncadd.s32 $0xFFFFFFFF  }
0xa6: {  	s26 =	simm.s32 $execute0_lowered;
	[smem:$0x3FD2] =	sst s25  }
0xa7: {  	s6 =	sshll.u32 s26, $0x1;
	_ =	strace $0x80000046;
	[dreg:$0x1] =	wrdreg $0xFFFFFFFF  }
0xa8: {  	s28 =	simm.s32 $_size_execute0_lowered;
	s4 =	sadd.s32 s4, s6;
	[dreg:$0x0] =	wrdreg $0x0  }
0xa9: {  	s6 =	sshll.u32 s28, $0x1;
	[dreg:$0x2] =	wrdreg s4  }
0xaa: {  	[dreg:$0x3] =	wrdreg s6  }
0xab: {  	[dreg:$0x4] =	wrdreg $0xC0  }
0xac: {  	_ =	task [dreg:s8], $0x5FFFF  }
0xad: {  	[dreg:$0x1] =	wrdreg $0xFFFFFFFF  }
0xae: {  	[dreg:$0x0] =	wrdreg $0x60  }
0xaf: {  	[dreg:$0x2] =	wrdreg s2  }
0xb0: {  	[dreg:$0x3] =	wrdreg s18  }
0xb1: {  	[dreg:$0x4] =	wrdreg s24  }
0xb2: {  	[dreg:$0x5] =	wrdreg $0x0  }
0xb3: {  	[dreg:$0x6] =	wrdreg $0x140000  }
0xb4: {  	[dreg:$0x7] =	wrdreg $0x9  }
0xb5: {  	_ =	task.clear_ibuf [dreg:s8], $0x8FFFF;
	_ =	strace $0x90000046  }
0xb6: {  	s29 =	simm.s32 $0x9;
	_ =	strace $0x80000048  }
0xb7: {  	_ =	swait.ge [sflag:s29], $0x1  }
0xb8: {  	[sflag:s29] =	ssyncadd.s32 $0xFFFFFFFF  }
0xb9: {  	_ =	strace $0x90000048  }
0xba: {  	_ =	sfence  }
0xbb: {  	s30 =	sld [smem:$0x0];
	_ =	sdelay $0x2  }
0xbc: {  	s31 =	sshll.u32 s1, $0xD;
	s1 =	sshrl.u32 s1, $0x2  }
0xbd: {  	s3 =	sand.u32 $0x4000, s31;
	s1 =	sadd.s32 s1, s30  }
0xbe: {  	s0 =	sor.u32 s3, s0;
	s1 =	sshll.u32 s1, $0x11  }
0xbf: {  	s0 =	sor.u32 s1, s0  }
0xc0: {  	s0 =	sadd.s32 $0x8F2B, s0  }
0xc1: {  	[sflag:s0] =	ssyncadd.remote.s32 $0x1  }
0xc2: {  	_ =	sfence.sel $0xFFFF  }
0xc3: {  	[dreg:$0x0] =	wrdreg $0xFFFFFFFF;
	(pc) =	sbr.abs _section_cstart, $3  }
0xc4: {  	[dreg:$0x1] =	wrdreg $0xFFFFFFFF  }
0xc5: {  	_ =	task.clear_ibuf [dreg:s8], $0x2FFFF;
	_ =	strace $0x9FFFFFFF  }
0xc6: {  	(tm) =	ssettm $0x7FFFFFFF  }
0xc7: {  	_ =	shalt  }
tec
execute0_lowered:
.L_overlay_start_1:
0x0: {  	(tag) =	ssettag $0x1  }
0x1: {  	s0 =	rddreg [dreg:$0x0]  }
0x2: {  	s1 =	rddreg [dreg:$0x1]  }
0x3: {  	s2 =	rddreg [dreg:$0x2]  }
0x4: {  	s3 =	rddreg [dreg:$0x3];
	s5 =	srdreg.scid  }
0x5: {  	s13 =	stileid.u32;
	s4 =	rddreg [dreg:$0x4];
	s28 =	simm.s32 $0x14280  }
0x6: {  	s29 =	simm.s32 $0x15680;
	s30 =	simm.s32 $0x80;
	s31 =	simm.s32 $0x14300  }
0x7: {  	s6 =	sand.u32 $0x1, s5;
	s8 =	smul.u32 $0x280, s13;
	s5 =	simm.s32 $0x0  }
0x8: {  	s9 =	sadd.s32 $0x2E00, s2;
	s10 =	sadd.s32 $0xCE00, s2;
	s12 =	smul.u32 $0x50000, s13  }
0x9: {  	s17 =	sshll.u32 s13, $0x1;
	s7 =	smul.u32 $0x2800, s6;
	[smem:$0x7FF] =	sst s5  }
0xa: {  	s11 =	ssub.s32 $0x2, s6;
	s6 =	sor.u32 s6, s17;
	_ =	strace $0x80000047  }
0xb: {  	[dreg:$0x6] =	wrdreg s10;
	s16 =	sshrl.u32 s11, $0x1;
	s18 =	sadd.s32 $0x80, s8  }
0xc: {  	s19 =	sshrl.u32 s12, $0x2;
	s14 =	sadd.s32 $0x100, s8;
	s24 =	smul.u32 $0x2800, s6  }
0xd: {  	s6 =	smul.u32 $0x500, s6;
	s7 =	sadd.s32 s8, s7;
	s11 =	ssub.s32 s11, s16  }
0xe: {  	s20 =	sshll.u32 s18, $0x7;
	s21 =	sshll.u32 s14, $0x7;
	s16 =	sadd.s32 $0x200, s8  }
0xf: {  	s25 =	sadd.s32 s18, s4;
	s14 =	sadd.s32 s14, s4;
	s15 =	sshll.u32 s7, $0x4  }
0x10: {  	s7 =	sshrl.u32 s7, $0x3;
	s12 =	sadd.s32 s20, s3;
	s17 =	sshll.u32 s16, $0x7  }
0x11: {  	[dreg:$0xb] =	wrdreg s25;
	s26 =	sshrl.u32 s24, $0x3;
	s16 =	sadd.s32 s16, s4  }
0x12: {  	s18 =	sadd.s32 s9, s6;
	s24 =	simm.s32 $0x16A80;
	s25 =	simm.s32 $0x3  }
0x13: {  	s10 =	sadd.s32 s15, s2;
	s2 =	sadd.s32 s7, s2;
	s7 =	sadd.s32 s19, s3  }
0x14: {  	[dreg:$0x7] =	wrdreg s12;
	s15 =	sadd.s32 $0x180, s8;
	s12 =	sadd.s32 s21, s3  }
0x15: {  	s23 =	sadd.s32 s17, s3;
	s17 =	sadd.s32 s1, s6;
	[dreg:$0x8] =	wrdreg s12  }
0x16: {  	s6 =	simm.s32 $0x2;
	s22 =	sshll.u32 s15, $0x7;
	[dreg:$0xa] =	wrdreg s23  }
0x17: {  	s15 =	sadd.s32 s15, s4;
	s21 =	sadd.s32 $0xDA00, s10;
	s23 =	smax.u32 s11, $0x1  }
0x18: {  	s12 =	sadd.s32 s22, s3;
	s22 =	sadd.s32 $0xD000, s2;
	s2 =	simm.s32 $0x1AA80  }
0x19: {  	[dreg:$0x9] =	wrdreg s12;
	s12 =	sadd.s32 s8, s4;
	s8 =	sadd.s32 $0x280, s26  }
0x1a: {  	s26 =	simm.s32 $0x1EA80;
	s19 =	sadd.s32 s1, s8;
	s20 =	sadd.s32 s9, s8  }
0x1b: {  	v0 =	vimm.f32 $0.0e+00;
	s1 =	simm.s32 $0x1;
	s8 =	simm.s32 $0x16980;
	s9 =	simm.s32 $0x16A00  }
.LBB2_1:
0x1c: {  	s10 =	simm.s32 $0x0;
	s11 =	simm.s32 $0x200  }
.LBB2_2:
0x1d: {  	p0 =	sne.s32 s11, $0xFE00;
	[tilespmem:s10+$0x16AF0] =	vst v0  }
0x1e: {  	[tilespmem:s10+$0x16A80] =	vst v0  }
0x1f: {  	[tilespmem:s10+$0x16A90] =	vst v0  }
.Ltmp0:
0x20: {  	[tilespmem:s10+$0x16AA0] =	vst v0;
	(pc) =	sbr.rel @p0 .LBB2_2-.Ltmp0, $4  }
0x21: {  	[tilespmem:s10+$0x16AB0] =	vst v0  }
0x22: {  	[tilespmem:s10+$0x16AC0] =	vst v0  }
0x23: {  	[tilespmem:s10+$0x16AD0] =	vst v0  }
0x24: {  	[tilespmem:s10+$0x16AE0] =	vst v0;
	s10 =	sshra.s32 s11, $0x2;
	s11 =	sadd.s32 $0x200, s11  }
0x25: {  	[tilespmem:s10+$0x16AF0] =	vst v0  }
0x26: {  	[tilespmem:s10+$0x16A80] =	vst v0  }
0x27: {  	[tilespmem:s10+$0x16A90] =	vst v0  }
0x28: {  	[tilespmem:s10+$0x16AA0] =	vst v0  }
0x29: {  	[tilespmem:s10+$0x16AB0] =	vst v0  }
0x2a: {  	[tilespmem:s10+$0x16AC0] =	vst v0  }
0x2b: {  	[tilespmem:s10+$0x16AD0] =	vst v0  }
0x2c: {  	[tilespmem:s10+$0x16AE0] =	vst v0  }
0x2d: {  	[spmem:s7] =	stream.linear.scatter [tilespmem:s24], [sflag:$0x3], $0x4000, $0x38;
	[tilespmem:$0x1EB00] =	vst v63  }
0x2e: {  	_ =	swait.ge [sflag:s25], $0x4000  }
0x2f: {  	[sflag:s25] =	ssyncset.done $0x0  }
0x30: {  	s11 =	rddreg [dreg:$0x7];
	[sflag:s25] =	ssyncadd.s32 $0xFFFFC000  }
0x31: {  	[spmem:s11] =	stream.linear.scatter [tilespmem:s24], [sflag:$0x3], $0x4000, $0x38;
	[tilespmem:$0x1EB00] =	vst v63  }
0x32: {  	_ =	swait.ge [sflag:s25], $0x4000  }
0x33: {  	[sflag:s25] =	ssyncset.done $0x0  }
0x34: {  	s13 =	rddreg [dreg:$0x8];
	[sflag:s25] =	ssyncadd.s32 $0xFFFFC000  }
0x35: {  	[spmem:s13] =	stream.linear.scatter [tilespmem:s24], [sflag:$0x3], $0x4000, $0x38;
	[tilespmem:$0x1EB00] =	vst v63  }
0x36: {  	_ =	swait.ge [sflag:s25], $0x4000  }
0x37: {  	[sflag:s25] =	ssyncset.done $0x0  }
0x38: {  	s11 =	rddreg [dreg:$0x9];
	[sflag:s25] =	ssyncadd.s32 $0xFFFFC000  }
0x39: {  	[spmem:s11] =	stream.linear.scatter [tilespmem:s24], [sflag:$0x3], $0x4000, $0x38;
	[tilespmem:$0x1EB00] =	vst v63  }
0x3a: {  	_ =	swait.ge [sflag:s25], $0x4000  }
0x3b: {  	[sflag:s25] =	ssyncset.done $0x0  }
0x3c: {  	s13 =	rddreg [dreg:$0xa];
	[sflag:s25] =	ssyncadd.s32 $0xFFFFC000  }
0x3d: {  	[spmem:s13] =	stream.linear.scatter [tilespmem:s24], [sflag:$0x3], $0x4000, $0x38;
	[tilespmem:$0x1EB00] =	vst v63  }
0x3e: {  	_ =	swait.ge [sflag:s25], $0x4000  }
0x3f: {  	[sflag:s25] =	ssyncset.done $0x0  }
0x40: {  	[sflag:s25] =	ssyncadd.s32 $0xFFFFC000  }
0x41: {  	[spmem:s12] =	stream.linear.scatter [tilespmem:s24], [sflag:$0x3], $0x80, $0x38;
	[tilespmem:$0x1EB00] =	vst v63  }
0x42: {  	_ =	swait.ge [sflag:s25], $0x80  }
0x43: {  	[sflag:s25] =	ssyncset.done $0x0  }
0x44: {  	s11 =	rddreg [dreg:$0xb];
	[sflag:s25] =	ssyncadd.s32 $0xFFFFFF80  }
0x45: {  	[spmem:s11] =	stream.linear.scatter [tilespmem:s24], [sflag:$0x3], $0x80, $0x38;
	[tilespmem:$0x1EB00] =	vst v63  }
0x46: {  	_ =	swait.ge [sflag:s25], $0x80  }
0x47: {  	[sflag:s25] =	ssyncset.done $0x0  }
0x48: {  	[sflag:s25] =	ssyncadd.s32 $0xFFFFFF80  }
0x49: {  	[spmem:s14] =	stream.linear.scatter [tilespmem:s24], [sflag:$0x3], $0x80, $0x38;
	[tilespmem:$0x1EB00] =	vst v63  }
0x4a: {  	_ =	swait.ge [sflag:s25], $0x80  }
0x4b: {  	[sflag:s25] =	ssyncset.done $0x0  }
0x4c: {  	[sflag:s25] =	ssyncadd.s32 $0xFFFFFF80  }
0x4d: {  	[spmem:s15] =	stream.linear.scatter [tilespmem:s24], [sflag:$0x3], $0x80, $0x38;
	[tilespmem:$0x1EB00] =	vst v63  }
0x4e: {  	_ =	swait.ge [sflag:s25], $0x80  }
0x4f: {  	[sflag:s25] =	ssyncset.done $0x0  }
0x50: {  	[sflag:s25] =	ssyncadd.s32 $0xFFFFFF80  }
0x51: {  	[spmem:s16] =	stream.linear.scatter [tilespmem:s24], [sflag:$0x3], $0x80, $0x38;
	[tilespmem:$0x1EB00] =	vst v63  }
0x52: {  	_ =	swait.ge [sflag:s25], $0x80  }
0x53: {  	[sflag:s25] =	ssyncset.done $0x0  }
0x54: {  	s13 =	simm.s32 $0x0;
	s11 =	rddreg [dreg:$0x6];
	[sflag:s25] =	ssyncadd.s32 $0xFFFFFF80  }
0x55: {  	[tilespmem:s26], [sflag:$0x3] =	stream.linear.gather [hbm4b:s11+s13], $0x80, $0x38;
	[tilespmem:$0x1EB00] =	vst v63  }
0x56: {  	_ =	swait.ge [sflag:s25], $0x80  }
0x57: {  	[sflag:s25] =	ssyncset.done $0x0  }
0x58: {  	[sflag:s25] =	ssyncadd.s32 $0xFFFFFF80  }
0x59: {  	[bflag:$0x0] =	sbarrier.arrive $0xFFFF  }
0x5a: {  	[tilespmem:s28], [sflag:$0x3] =	stream.linear.gather [hbm4b:s17+s13], $0x1400, $0x38;
	[tilespmem:$0x1EB00] =	vst v63  }
0x5b: {  	_ =	swait.ge [sflag:s25], $0x1400  }
0x5c: {  	[sflag:s25] =	ssyncset.done $0x0  }
0x5d: {  	[sflag:s25] =	ssyncadd.s32 $0xFFFFEC00  }
0x5e: {  	[tilespmem:s29], [sflag:$0x3] =	stream.linear.gather [hbm4b:s18+s13], $0x1400, $0x38;
	[tilespmem:$0x1EB00] =	vst v63  }
0x5f: {  	_ =	swait.ge [sflag:s25], $0x1400  }
0x60: {  	[sflag:s25] =	ssyncset.done $0x0  }
0x61: {  	[sflag:s25] =	ssyncadd.s32 $0xFFFFEC00  }
0x62: {  	[tilespmem:s24], [sflag:$0x1] =	stream.indirect.gather [hbm4b:s0+s30], $0x80, s28, s30, $0xb8;
	[tilespmem:$0x1EB00] =	vst v63  }
0x63: {  	_ = 	snop  }
0x64: {  	[tilespmem:s2], [sflag:$0x2] =	stream.indirect.gather [hbm4b:s0+s30], $0x80, s31, s30, $0xb8;
	[tilespmem:$0x1EB00] =	vst v63  }
0x65: {  	_ =	swait.ge [sflag:s1], $0x4000  }
0x66: {  	[sflag:s1] =	ssyncset.done $0x0  }
0x67: {  	s13 =	simm.s32 $0x15680;
	[sflag:s1] =	ssyncadd.s32 $0xFFFFC000  }
0x68: {  	[spmem:s3] =	stream.indirect.scatter.add.f32 [tilespmem:s24], [sflag:$0x3], $0x80, s13, s30, $0xb8;
	[tilespmem:$0x1EB00] =	vst v63  }
0x69: {  	_ =	swait.ge [sflag:s25], $0x4000  }
0x6a: {  	[sflag:s25] =	ssyncset.done $0x0  }
0x6b: {  	[sflag:s25] =	ssyncadd.s32 $0xFFFFC000  }
0x6c: {  	[spmem:s4] =	stream.indirect.scatter.add.f32 [tilespmem:s26], [sflag:$0x3], $0x1, s13, s30, $0xb8;
	[tilespmem:$0x1EB00] =	vst v63  }
0x6d: {  	_ =	swait.ge [sflag:s25], $0x80  }
0x6e: {  	[sflag:s25] =	ssyncset.done $0x0  }
0x6f: {  	s11 =	simm.s32 $0x14380;
	[sflag:s25] =	ssyncadd.s32 $0xFFFFFF80  }
0x70: {  	[tilespmem:s24], [sflag:$0x1] =	stream.indirect.gather [hbm4b:s0+s30], $0x80, s11, s30, $0xb8;
	[tilespmem:$0x1EB00] =	vst v63  }
0x71: {  	_ =	swait.ge [sflag:s6], $0x4000  }
0x72: {  	[sflag:s6] =	ssyncset.done $0x0  }
0x73: {  	s13 =	simm.s32 $0x15700;
	[sflag:s6] =	ssyncadd.s32 $0xFFFFC000  }
0x74: {  	[spmem:s3] =	stream.indirect.scatter.add.f32 [tilespmem:s2], [sflag:$0x3], $0x80, s13, s30, $0xb8;
	[tilespmem:$0x1EB00] =	vst v63  }
0x75: {  	_ =	swait.ge [sflag:s25], $0x4000  }
0x76: {  	[sflag:s25] =	ssyncset.done $0x0  }
0x77: {  	[sflag:s25] =	ssyncadd.s32 $0xFFFFC000  }
0x78: {  	[spmem:s4] =	stream.indirect.scatter.add.f32 [tilespmem:s26], [sflag:$0x3], $0x1, s13, s30, $0xb8;
	[tilespmem:$0x1EB00] =	vst v63  }
0x79: {  	_ =	swait.ge [sflag:s25], $0x80  }
0x7a: {  	[sflag:s25] =	ssyncset.done $0x0  }
0x7b: {  	s10 =	simm.s32 $0x400;
	s11 =	simm.s32 $0x14400;
	[sflag:s25] =	ssyncadd.s32 $0xFFFFFF80  }
.LBB2_4:
0x7c: {  	[tilespmem:s2], [sflag:$0x2] =	stream.indirect.gather [hbm4b:s0+s30], $0x80, s11, s30, $0xb8;
	[tilespmem:$0x1EB00] =	vst v63  }
0x7d: {  	s11 =	smov.u32 s10  }
0x7e: {  	p0 =	sne.s32 s10, $0x4800;
	s10 =	sadd.s32 $0x400, s10;
	_ =	swait.ge [sflag:s1], $0x4000  }
0x7f: {  	s11 =	sshra.s32 s11, $0x2;
	[sflag:s1] =	ssyncset.done $0x0  }
0x80: {  	s13 =	sadd.s32 $0x15680, s11;
	[sflag:s1] =	ssyncadd.s32 $0xFFFFC000  }
0x81: {  	[spmem:s3] =	stream.indirect.scatter.add.f32 [tilespmem:s24], [sflag:$0x3], $0x80, s13, s30, $0xb8;
	[tilespmem:$0x1EB00] =	vst v63  }
0x82: {  	_ =	swait.ge [sflag:s25], $0x4000  }
0x83: {  	[sflag:s25] =	ssyncset.done $0x0  }
0x84: {  	[sflag:s25] =	ssyncadd.s32 $0xFFFFC000  }
0x85: {  	[spmem:s4] =	stream.indirect.scatter.add.f32 [tilespmem:s26], [sflag:$0x3], $0x1, s13, s30, $0xb8;
	[tilespmem:$0x1EB00] =	vst v63  }
0x86: {  	_ =	swait.ge [sflag:s25], $0x80  }
0x87: {  	[sflag:s25] =	ssyncset.done $0x0  }
0x88: {  	s13 =	sadd.s32 $0x14380, s11;
	[sflag:s25] =	ssyncadd.s32 $0xFFFFFF80  }
0x89: {  	[tilespmem:s24], [sflag:$0x1] =	stream.indirect.gather [hbm4b:s0+s30], $0x80, s13, s30, $0xb8;
	[tilespmem:$0x1EB00] =	vst v63  }
0x8a: {  	_ =	swait.ge [sflag:s6], $0x4000  }
0x8b: {  	[sflag:s6] =	ssyncset.done $0x0  }
0x8c: {  	s13 =	sadd.s32 $0x15700, s11;
	[sflag:s6] =	ssyncadd.s32 $0xFFFFC000  }
0x8d: {  	[spmem:s3] =	stream.indirect.scatter.add.f32 [tilespmem:s2], [sflag:$0x3], $0x80, s13, s30, $0xb8;
	[tilespmem:$0x1EB00] =	vst v63  }
0x8e: {  	_ =	swait.ge [sflag:s25], $0x4000  }
0x8f: {  	[sflag:s25] =	ssyncset.done $0x0  }
.Ltmp1:
0x90: {  	[sflag:s25] =	ssyncadd.s32 $0xFFFFC000;
	(pc) =	sbr.rel @p0 .LBB2_4-.Ltmp1, $4  }
0x91: {  	[spmem:s4] =	stream.indirect.scatter.add.f32 [tilespmem:s26], [sflag:$0x3], $0x1, s13, s30, $0xb8;
	[tilespmem:$0x1EB00] =	vst v63  }
0x92: {  	_ =	swait.ge [sflag:s25], $0x80  }
0x93: {  	[sflag:s25] =	ssyncset.done $0x0  }
0x94: {  	s11 =	sadd.s32 $0x14400, s11;
	[sflag:s25] =	ssyncadd.s32 $0xFFFFFF80  }
0x95: {  	[tilespmem:s2], [sflag:$0x2] =	stream.indirect.gather [hbm4b:s0+s30], $0x80, s11, s30, $0xb8;
	[tilespmem:$0x1EB00] =	vst v63  }
0x96: {  	_ =	swait.ge [sflag:s1], $0x4000  }
0x97: {  	[sflag:s1] =	ssyncset.done $0x0  }
0x98: {  	[sflag:s1] =	ssyncadd.s32 $0xFFFFC000  }
0x99: {  	[spmem:s3] =	stream.indirect.scatter.add.f32 [tilespmem:s24], [sflag:$0x3], $0x80, s8, s30, $0xb8;
	[tilespmem:$0x1EB00] =	vst v63  }
0x9a: {  	_ =	swait.ge [sflag:s25], $0x4000  }
0x9b: {  	[sflag:s25] =	ssyncset.done $0x0  }
0x9c: {  	[sflag:s25] =	ssyncadd.s32 $0xFFFFC000  }
0x9d: {  	[spmem:s4] =	stream.indirect.scatter.add.f32 [tilespmem:s26], [sflag:$0x3], $0x1, s8, s30, $0xb8;
	[tilespmem:$0x1EB00] =	vst v63  }
0x9e: {  	_ =	swait.ge [sflag:s25], $0x80  }
0x9f: {  	[sflag:s25] =	ssyncset.done $0x0  }
0xa0: {  	[sflag:s25] =	ssyncadd.s32 $0xFFFFFF80  }
0xa1: {  	_ =	swait.ge [sflag:s6], $0x4000  }
0xa2: {  	[sflag:s6] =	ssyncset.done $0x0  }
0xa3: {  	[sflag:s6] =	ssyncadd.s32 $0xFFFFC000  }
0xa4: {  	[spmem:s3] =	stream.indirect.scatter.add.f32 [tilespmem:s2], [sflag:$0x3], $0x80, s9, s30, $0xb8;
	[tilespmem:$0x1EB00] =	vst v63  }
0xa5: {  	_ =	swait.ge [sflag:s25], $0x4000  }
0xa6: {  	[sflag:s25] =	ssyncset.done $0x0  }
0xa7: {  	[sflag:s25] =	ssyncadd.s32 $0xFFFFC000  }
0xa8: {  	[spmem:s4] =	stream.indirect.scatter.add.f32 [tilespmem:s26], [sflag:$0x3], $0x1, s9, s30, $0xb8;
	[tilespmem:$0x1EB00] =	vst v63  }
0xa9: {  	_ =	swait.ge [sflag:s25], $0x80  }
0xaa: {  	[sflag:s25] =	ssyncset.done $0x0  }
0xab: {  	s10 =	simm.s32 $0x0;
	[sflag:s25] =	ssyncadd.s32 $0xFFFFFF80  }
0xac: {  	[tilespmem:s28], [sflag:$0x3] =	stream.linear.gather [hbm4b:s19+s10], $0x1400, $0x38;
	[tilespmem:$0x1EB00] =	vst v63  }
0xad: {  	_ =	swait.ge [sflag:s25], $0x1400  }
0xae: {  	[sflag:s25] =	ssyncset.done $0x0  }
0xaf: {  	[sflag:s25] =	ssyncadd.s32 $0xFFFFEC00  }
0xb0: {  	[tilespmem:s29], [sflag:$0x3] =	stream.linear.gather [hbm4b:s20+s10], $0x1400, $0x38;
	[tilespmem:$0x1EB00] =	vst v63  }
0xb1: {  	_ =	swait.ge [sflag:s25], $0x1400  }
0xb2: {  	[sflag:s25] =	ssyncset.done $0x0  }
0xb3: {  	[sflag:s25] =	ssyncadd.s32 $0xFFFFEC00  }
0xb4: {  	[tilespmem:s24], [sflag:$0x1] =	stream.indirect.gather [hbm4b:s0+s30], $0x80, s28, s30, $0xb8;
	[tilespmem:$0x1EB00] =	vst v63  }
0xb5: {  	_ = 	snop  }
0xb6: {  	[tilespmem:s2], [sflag:$0x2] =	stream.indirect.gather [hbm4b:s0+s30], $0x80, s31, s30, $0xb8;
	[tilespmem:$0x1EB00] =	vst v63  }
0xb7: {  	_ =	swait.ge [sflag:s1], $0x4000  }
0xb8: {  	[sflag:s1] =	ssyncset.done $0x0  }
0xb9: {  	s13 =	simm.s32 $0x15680;
	[sflag:s1] =	ssyncadd.s32 $0xFFFFC000  }
0xba: {  	[spmem:s3] =	stream.indirect.scatter.add.f32 [tilespmem:s24], [sflag:$0x3], $0x80, s13, s30, $0xb8;
	[tilespmem:$0x1EB00] =	vst v63  }
0xbb: {  	_ =	swait.ge [sflag:s25], $0x4000  }
0xbc: {  	[sflag:s25] =	ssyncset.done $0x0  }
0xbd: {  	[sflag:s25] =	ssyncadd.s32 $0xFFFFC000  }
0xbe: {  	[spmem:s4] =	stream.indirect.scatter.add.f32 [tilespmem:s26], [sflag:$0x3], $0x1, s13, s30, $0xb8;
	[tilespmem:$0x1EB00] =	vst v63  }
0xbf: {  	_ =	swait.ge [sflag:s25], $0x80  }
0xc0: {  	[sflag:s25] =	ssyncset.done $0x0  }
0xc1: {  	s11 =	simm.s32 $0x14380;
	[sflag:s25] =	ssyncadd.s32 $0xFFFFFF80  }
0xc2: {  	[tilespmem:s24], [sflag:$0x1] =	stream.indirect.gather [hbm4b:s0+s30], $0x80, s11, s30, $0xb8;
	[tilespmem:$0x1EB00] =	vst v63  }
0xc3: {  	_ =	swait.ge [sflag:s6], $0x4000  }
0xc4: {  	[sflag:s6] =	ssyncset.done $0x0  }
0xc5: {  	s13 =	simm.s32 $0x15700;
	[sflag:s6] =	ssyncadd.s32 $0xFFFFC000  }
0xc6: {  	[spmem:s3] =	stream.indirect.scatter.add.f32 [tilespmem:s2], [sflag:$0x3], $0x80, s13, s30, $0xb8;
	[tilespmem:$0x1EB00] =	vst v63  }
0xc7: {  	_ =	swait.ge [sflag:s25], $0x4000  }
0xc8: {  	[sflag:s25] =	ssyncset.done $0x0  }
0xc9: {  	[sflag:s25] =	ssyncadd.s32 $0xFFFFC000  }
0xca: {  	[spmem:s4] =	stream.indirect.scatter.add.f32 [tilespmem:s26], [sflag:$0x3], $0x1, s13, s30, $0xb8;
	[tilespmem:$0x1EB00] =	vst v63  }
0xcb: {  	_ =	swait.ge [sflag:s25], $0x80  }
0xcc: {  	[sflag:s25] =	ssyncset.done $0x0  }
0xcd: {  	s10 =	simm.s32 $0x400;
	s11 =	simm.s32 $0x14400;
	[sflag:s25] =	ssyncadd.s32 $0xFFFFFF80  }
.LBB2_6:
0xce: {  	[tilespmem:s2], [sflag:$0x2] =	stream.indirect.gather [hbm4b:s0+s30], $0x80, s11, s30, $0xb8;
	[tilespmem:$0x1EB00] =	vst v63  }
0xcf: {  	s11 =	smov.u32 s10  }
0xd0: {  	p0 =	sne.s32 s10, $0x4800;
	s10 =	sadd.s32 $0x400, s10;
	_ =	swait.ge [sflag:s1], $0x4000  }
0xd1: {  	s11 =	sshra.s32 s11, $0x2;
	[sflag:s1] =	ssyncset.done $0x0  }
0xd2: {  	s13 =	sadd.s32 $0x15680, s11;
	[sflag:s1] =	ssyncadd.s32 $0xFFFFC000  }
0xd3: {  	[spmem:s3] =	stream.indirect.scatter.add.f32 [tilespmem:s24], [sflag:$0x3], $0x80, s13, s30, $0xb8;
	[tilespmem:$0x1EB00] =	vst v63  }
0xd4: {  	_ =	swait.ge [sflag:s25], $0x4000  }
0xd5: {  	[sflag:s25] =	ssyncset.done $0x0  }
0xd6: {  	[sflag:s25] =	ssyncadd.s32 $0xFFFFC000  }
0xd7: {  	[spmem:s4] =	stream.indirect.scatter.add.f32 [tilespmem:s26], [sflag:$0x3], $0x1, s13, s30, $0xb8;
	[tilespmem:$0x1EB00] =	vst v63  }
0xd8: {  	_ =	swait.ge [sflag:s25], $0x80  }
0xd9: {  	[sflag:s25] =	ssyncset.done $0x0  }
0xda: {  	s13 =	sadd.s32 $0x14380, s11;
	[sflag:s25] =	ssyncadd.s32 $0xFFFFFF80  }
0xdb: {  	[tilespmem:s24], [sflag:$0x1] =	stream.indirect.gather [hbm4b:s0+s30], $0x80, s13, s30, $0xb8;
	[tilespmem:$0x1EB00] =	vst v63  }
0xdc: {  	_ =	swait.ge [sflag:s6], $0x4000  }
0xdd: {  	[sflag:s6] =	ssyncset.done $0x0  }
0xde: {  	s13 =	sadd.s32 $0x15700, s11;
	[sflag:s6] =	ssyncadd.s32 $0xFFFFC000  }
0xdf: {  	[spmem:s3] =	stream.indirect.scatter.add.f32 [tilespmem:s2], [sflag:$0x3], $0x80, s13, s30, $0xb8;
	[tilespmem:$0x1EB00] =	vst v63  }
0xe0: {  	_ =	swait.ge [sflag:s25], $0x4000  }
0xe1: {  	[sflag:s25] =	ssyncset.done $0x0  }
.Ltmp2:
0xe2: {  	[sflag:s25] =	ssyncadd.s32 $0xFFFFC000;
	(pc) =	sbr.rel @p0 .LBB2_6-.Ltmp2, $4  }
0xe3: {  	[spmem:s4] =	stream.indirect.scatter.add.f32 [tilespmem:s26], [sflag:$0x3], $0x1, s13, s30, $0xb8;
	[tilespmem:$0x1EB00] =	vst v63  }
0xe4: {  	_ =	swait.ge [sflag:s25], $0x80  }
0xe5: {  	[sflag:s25] =	ssyncset.done $0x0  }
0xe6: {  	s11 =	sadd.s32 $0x14400, s11;
	[sflag:s25] =	ssyncadd.s32 $0xFFFFFF80  }
0xe7: {  	[tilespmem:s2], [sflag:$0x2] =	stream.indirect.gather [hbm4b:s0+s30], $0x80, s11, s30, $0xb8;
	[tilespmem:$0x1EB00] =	vst v63  }
0xe8: {  	_ =	swait.ge [sflag:s1], $0x4000  }
0xe9: {  	[sflag:s1] =	ssyncset.done $0x0  }
0xea: {  	[sflag:s1] =	ssyncadd.s32 $0xFFFFC000  }
0xeb: {  	[spmem:s3] =	stream.indirect.scatter.add.f32 [tilespmem:s24], [sflag:$0x3], $0x80, s8, s30, $0xb8;
	[tilespmem:$0x1EB00] =	vst v63  }
0xec: {  	_ =	swait.ge [sflag:s25], $0x4000  }
0xed: {  	[sflag:s25] =	ssyncset.done $0x0  }
0xee: {  	[sflag:s25] =	ssyncadd.s32 $0xFFFFC000  }
0xef: {  	[spmem:s4] =	stream.indirect.scatter.add.f32 [tilespmem:s26], [sflag:$0x3], $0x1, s8, s30, $0xb8;
	[tilespmem:$0x1EB00] =	vst v63  }
0xf0: {  	_ =	swait.ge [sflag:s25], $0x80  }
0xf1: {  	[sflag:s25] =	ssyncset.done $0x0  }
0xf2: {  	[sflag:s25] =	ssyncadd.s32 $0xFFFFFF80  }
0xf3: {  	_ =	swait.ge [sflag:s6], $0x4000  }
0xf4: {  	[sflag:s6] =	ssyncset.done $0x0  }
0xf5: {  	[sflag:s6] =	ssyncadd.s32 $0xFFFFC000  }
0xf6: {  	[spmem:s3] =	stream.indirect.scatter.add.f32 [tilespmem:s2], [sflag:$0x3], $0x80, s9, s30, $0xb8;
	[tilespmem:$0x1EB00] =	vst v63  }
0xf7: {  	_ =	swait.ge [sflag:s25], $0x4000  }
0xf8: {  	[sflag:s25] =	ssyncset.done $0x0  }
0xf9: {  	[sflag:s25] =	ssyncadd.s32 $0xFFFFC000  }
0xfa: {  	[spmem:s4] =	stream.indirect.scatter.add.f32 [tilespmem:s26], [sflag:$0x3], $0x1, s9, s30, $0xb8;
	[tilespmem:$0x1EB00] =	vst v63  }
0xfb: {  	_ =	swait.ge [sflag:s25], $0x80  }
0xfc: {  	s10 =	stileid.u32;
	[sflag:s25] =	ssyncset.done $0x0  }
0xfd: {  	s10 =	sshll.u32 s10, $0x6;
	[sflag:s25] =	ssyncadd.s32 $0xFFFFFF80  }
0xfe: {  	s13 =	sshrl.u32 s7, $0x3;
	s10 =	sor.u32 $0x1C03, s10;
	[bflag:$0x0] =	sbarrier.arrive $0xFFFF  }
0xff: {  	[hbm:s21], [sflag:s10] =	dma.local [spmem:s13], $0x2800  }
0x100: {  	s5 =	sadd.s32 $0x1, s5;
	_ =	swait.ge [sflag:s25], $0x2800  }
0x101: {  	p0 =	sne.s32 s5, s23;
	[sflag:s25] =	ssyncset.done $0x0  }
.Ltmp3:
0x102: {  	s13 =	sshrl.u32 s12, $0x3;
	[sflag:s25] =	ssyncadd.s32 $0xFFFFD800;
	(pc) =	sbr.rel @p0 .LBB2_1-.Ltmp3, $4  }
0x103: {  	[hbm:s22], [sflag:s10] =	dma.local [spmem:s13], $0x50  }
0x104: {  	_ =	swait.ge [sflag:s25], $0x50  }
0x105: {  	[sflag:s25] =	ssyncset.done $0x0  }
0x106: {  	[sflag:s25] =	ssyncadd.s32 $0xFFFFFFB0  }
0x107: {  	_ =	sfence.sel $0x180000  }
0x108: {  	[bflag:$0x0] =	sbarrier.arrive $0xFFFF  }
0x109: {  	_ =	strace $0x90000047  }
0x10a: {  	s0 =	stileid.u32;
	[bflag:$0x2] =	sbarrier.arrive $0xFFFF  }
0x10b: {  	p0 =	sne.s32 s0, $0x0;
	s0 =	rddreg [dreg:$0x5]  }
0x10c: {  	s0 =	sadd.s32 @!p0 $0x100000, s0  }
0x10d: {  	[sflag:s0] =	ssyncadd.tile.s32 @!p0 $0x1;
	_ =	shalt  }
.Lfunc_end2:
_tile_overlayer_lowered:
.L_overlay_start_2:
0x10e: {  	(tag) =	ssettag $0x2  }
0x10f: {  	s0 =	rddreg [dreg:$0x0];
	s2 =	stileid.u32  }
0x110: {  	s1 =	rddreg [dreg:$0x1];
	p0 =	sne.s32 s2, $0x0  }
0x111: {  	s3 =	rddreg [dreg:$0x2];
	[bflag:$0x3] =	sbarrier.arrive $0xFFFF;
	s2 =	simm.s32 @!p0 $0x1C03  }
0x112: {  	[timem:s3], [sflag:s2] =	dma.local @!p0 [hbm:s0], s1  }
0x113: {  	s0 =	simm.s32 @!p0 $0x3  }
0x114: {  	_ =	swait.ge @!p0 [sflag:s0], s1  }
0x115: {  	s1 =	ssub.s32 @!p0 $0x0, s1;
	[sflag:s0] =	ssyncset.done @!p0 $0x0  }
0x116: {  	[sflag:s0] =	ssyncadd.s32 @!p0 s1  }
0x117: {  	[bflag:$0x3] =	sbarrier.arrive $0xFFFF  }
0x118: {  	_ =	shalt  }

</sc_bundles>
